<compile_context>
chip_gen: v7x
topology: tpu7x:2x2x1
jax: 0.10.2.dev20260603
libtpu: 0.0.44.dev20260713+nightly
codegen_flags: <defaults>
</compile_context>

<pallas_src>
import functools

import jax
import jax.numpy as jnp
from jax import lax
from jax.experimental import pallas as pl
from jax.experimental.pallas import tpu as pltpu
from jax.experimental.pallas import tpu_sc as plsc

_NUM_REQ = 512
_LITS = 4
_NC = 2
_NS = 16
_NW = _NC * _NS
_LANES = 16
_CHUNK = 8
_NGROUPS = _NUM_REQ // _LANES


def _body(preds_h, preq_h, pvar_h, mreq_h, mvar_h, out_h,
          preq_v, pvar_v, mreq_v, mvar_v,
          var_v, scale_v, rows_a, rows_b, sem_a, sem_b, sem_t, acc_v,
          rows_per_w, num_vars, n_plus, n_minus):
    c = lax.axis_index("c")
    s = lax.axis_index("s")
    wid = s * _NC + c
    base = wid * rows_per_w
    nchunks = rows_per_w // _CHUNK

    def start(ci, dst, sem):
        pltpu.async_copy(preds_h.at[pl.ds(base + ci * _CHUNK, _CHUNK)],
                         dst, sem)

    def wait(dst, sem):
        pltpu.make_async_copy(preds_h.at[pl.ds(0, _CHUNK)], dst, sem).wait()

    start(0, rows_a, sem_a)
    start(1, rows_b, sem_b)
    lists = []
    if n_plus:
        lists += [(preq_h, preq_v), (pvar_h, pvar_v)]
    if n_minus:
        lists += [(mreq_h, mreq_v), (mvar_h, mvar_v)]
    for src, dst in lists:
        pltpu.async_copy(src, dst, sem_t)
    for src, dst in lists:
        pltpu.make_async_copy(src, dst, sem_t).wait()

    iota = lax.iota(jnp.int32, _LANES)
    zero_i = jnp.zeros((_LANES,), jnp.int32)

    def prep(req_v, varr_v, n, is_minus):
        ngrp = (n + _LANES - 1) // _LANES
        nm1 = jnp.full((_LANES,), n - 1, jnp.int32)
        nsplat = jnp.full((_LANES,), n, jnp.int32)
        sc_c = jnp.full((_LANES,), -1.0 if is_minus else 1.0, jnp.float32)

        def gbody(g, carry):
            pos = iota + g * _LANES
            cur_i = jnp.minimum(pos, nm1)
            req = plsc.load_gather(req_v, [cur_i])
            var = plsc.load_gather(varr_v, [cur_i])
            k = zero_i
            for t in (1, 2, 3):
                if is_minus:
                    q = pos + t
                    nb_i = jnp.minimum(q, nm1)
                    valid = q < nsplat
                else:
                    q = pos - t
                    nb_i = jnp.maximum(q, zero_i)
                    valid = q >= zero_i
                nb = plsc.load_gather(req_v, [nb_i])
                k = k + jnp.where(valid & (nb == req), 1, 0)
            if is_minus:
                k = 3 - k
            slot = k * _NUM_REQ + req
            mask = pos < nsplat
            plsc.store_scatter(var_v, [slot], var, mask=mask)
            plsc.store_scatter(scale_v, [slot], sc_c, mask=mask)
            return carry

        lax.fori_loop(0, ngrp, gbody, 0, unroll=2)

    if n_plus:
        prep(preq_v, pvar_v, n_plus, False)
    if n_minus:
        prep(mreq_v, mvar_v, n_minus, True)

    def make_g_body(rows_v):
        half = jnp.full((_LANES,), 0.5, jnp.float32)

        def g_body(g, accs):
            o = g * _LANES
            idx = [var_v[pl.ds(k * _NUM_REQ + o, _LANES)] for k in range(_LITS)]
            sc = [scale_v[pl.ds(k * _NUM_REQ + o, _LANES)] for k in range(_LITS)]
            accs = list(accs)
            for r in range(_CHUNK):
                rsplat = jnp.full((_LANES,), r, jnp.int32)
                vals = [sc[k] * (plsc.load_gather(rows_v, [rsplat, idx[k]])
                                 - half)
                        for k in range(_LITS)]
                m = jnp.maximum(jnp.maximum(vals[0], vals[1]),
                                jnp.maximum(vals[2], vals[3]))
                accs[r % 4] = accs[r % 4] + m
            return tuple(accs)
        return g_body

    last = nchunks - 1

    def pair_body(p, accs):
        ci2 = jnp.minimum(2 * p + 2, last)
        ci3 = jnp.minimum(2 * p + 3, last)
        wait(rows_a, sem_a)
        accs = lax.fori_loop(0, _NGROUPS, make_g_body(rows_a), accs)
        start(ci2, rows_a, sem_a)
        wait(rows_b, sem_b)
        accs = lax.fori_loop(0, _NGROUPS, make_g_body(rows_b), accs)
        start(ci3, rows_b, sem_b)
        return accs

    z = jnp.zeros((_LANES,), jnp.float32)
    accs = lax.fori_loop(0, nchunks // 2, pair_body, (z, z, z, z))
    wait(rows_a, sem_a)
    wait(rows_b, sem_b)
    acc_v[...] = accs[0] + accs[1] + accs[2] + accs[3]
    pltpu.sync_copy(acc_v, out_h.at[wid])


def kernel(preds, plus_req, plus_var, minus_req, minus_var):
    batch, num_vars = preds.shape
    n_plus = plus_req.shape[0]
    n_minus = minus_req.shape[0]
    tab = _LITS * _NUM_REQ

    rows_per_w = batch // _NW
    mesh = plsc.VectorSubcoreMesh(core_axis_name="c", subcore_axis_name="s")
    sc_call = functools.partial(
        pl.kernel,
        out_type=jax.ShapeDtypeStruct((_NW, _LANES), jnp.float32),
        mesh=mesh,
        compiler_params=pltpu.CompilerParams(needs_layout_passes=False),
        scratch_types=[
            pltpu.VMEM((max(n_plus, 1),), jnp.int32),
            pltpu.VMEM((max(n_plus, 1),), jnp.int32),
            pltpu.VMEM((max(n_minus, 1),), jnp.int32),
            pltpu.VMEM((max(n_minus, 1),), jnp.int32),
            pltpu.VMEM((tab,), jnp.int32),
            pltpu.VMEM((tab,), jnp.float32),
            pltpu.VMEM((_CHUNK, num_vars), jnp.float32),
            pltpu.VMEM((_CHUNK, num_vars), jnp.float32),
            pltpu.SemaphoreType.DMA,
            pltpu.SemaphoreType.DMA,
            pltpu.SemaphoreType.DMA,
            pltpu.VMEM((_LANES,), jnp.float32),
        ],
    )(functools.partial(_body, rows_per_w=rows_per_w, num_vars=num_vars,
                        n_plus=n_plus, n_minus=n_minus))

    partial = sc_call(preds, plus_req, plus_var, minus_req, minus_var)
    total = jnp.sum(partial)
    denom = jnp.float32(_NUM_REQ * batch)
    return jnp.float32(0.5) - total / denom

# --- scband reference (transcript-rebuilt; emitter-appended) ---
"""Pipeline reference for scband-shield-loss-75986561401036 (READ-ONLY COPY).

The authoritative reference and input builder live on the scoring server;
editing this copy changes nothing except your own understanding.
"""

import jax, jax.numpy as jnp
import numpy as np

NUM_VARS = 1024
NUM_REQ = 512
LITS_PER_REQ = 4
BATCH = 4096


def setup_inputs(seed: int = 0) -> dict:
    key = jax.random.key(seed)
    preds = jax.random.uniform(key, (BATCH, NUM_VARS), dtype=jnp.float32)
    # Materialize the sparse constraint structure that ShieldLoss would parse
    # from requirements_filepath: Cplus/Cminus are binary [NUM_REQ, NUM_VARS]
    # matrices; we store their nonzeros as (req_idx, var_idx) coordinate lists.
    rng = np.random.default_rng(0)
    nnz = NUM_REQ * LITS_PER_REQ
    req_idx = np.repeat(np.arange(NUM_REQ), LITS_PER_REQ)
    var_idx = rng.integers(0, NUM_VARS, size=nnz)
    sign = rng.integers(0, 2, size=nnz).astype(bool)  # True -> positive literal
    plus_req = jnp.asarray(req_idx[sign], dtype=jnp.int32)
    plus_var = jnp.asarray(var_idx[sign], dtype=jnp.int32)
    minus_req = jnp.asarray(req_idx[~sign], dtype=jnp.int32)
    minus_var = jnp.asarray(var_idx[~sign], dtype=jnp.int32)
    return {
        "preds": preds,
        "plus_req": plus_req,
        "plus_var": plus_var,
        "minus_req": minus_req,
        "minus_var": minus_var,
    }


def reference(preds, plus_req, plus_var, minus_req, minus_var):
    # godel_disjunctions_sparse: for each requirement r,
    # constr[b, r] = max over positive literals k of preds[b, k]
    #               and over negative literals k of (1 - preds[b, k]),
    # starting from 0 (empty requirements stay 0, as in torch zeros init).
    pv = jnp.take(preds, plus_var, axis=1)            # [B, nnz_plus]
    mv = 1.0 - jnp.take(preds, minus_var, axis=1)      # [B, nnz_minus]
    plus_max = jax.ops.segment_max(pv.T, plus_req, num_segments=NUM_REQ)    # [NUM_REQ, B]
    minus_max = jax.ops.segment_max(mv.T, minus_req, num_segments=NUM_REQ)  # [NUM_REQ, B]
    constr = jnp.maximum(jnp.maximum(plus_max, minus_max), 0.0)  # clamp -inf fills to 0
    req_loss = jnp.mean(constr)
    return 1.0 - req_loss

if __name__ == "__main__":
    import jax
    _d = setup_inputs()
    print(jax.jit(kernel)(*tuple(_d.values())))

</pallas_src>

<mosaic_0001>
#map = affine_map<(d0, d1) -> (0, 0)>
#map1 = affine_map<(d0, d1) -> (0)>
module attributes {stable_mosaic.version = 14 : i64} {
  func.func @_body(%arg0: i32, %arg1: i32, %arg2: memref<4096x1024xf32, #tpu.memory_space<hbm>>, %arg3: memref<1006xi32, #tpu.memory_space<hbm>>, %arg4: memref<1006xi32, #tpu.memory_space<hbm>>, %arg5: memref<1042xi32, #tpu.memory_space<hbm>>, %arg6: memref<1042xi32, #tpu.memory_space<hbm>>, %arg7: memref<32x16xf32, #tpu.memory_space<hbm>>, %arg8: memref<1006xi32, #tpu.memory_space<vmem>>, %arg9: memref<1006xi32, #tpu.memory_space<vmem>>, %arg10: memref<1042xi32, #tpu.memory_space<vmem>>, %arg11: memref<1042xi32, #tpu.memory_space<vmem>>, %arg12: memref<2048xi32, #tpu.memory_space<vmem>>, %arg13: memref<2048xf32, #tpu.memory_space<vmem>>, %arg14: memref<8x1024xf32, #tpu.memory_space<vmem>>, %arg15: memref<8x1024xf32, #tpu.memory_space<vmem>>, %arg16: memref<!tpu.dma_semaphore, #tpu.memory_space<semaphore_mem>>, %arg17: memref<!tpu.dma_semaphore, #tpu.memory_space<semaphore_mem>>, %arg18: memref<!tpu.dma_semaphore, #tpu.memory_space<semaphore_mem>>, %arg19: memref<16xf32, #tpu.memory_space<vmem>>) attributes {dimension_semantics = [#tpu.dimension_semantics<core_parallel>, #tpu.dimension_semantics<subcore_parallel>], iteration_bounds = array<i64: 2, 16>, scalar_prefetch = 0 : i64, scratch_operands = 12 : i64, tpu.core_type = #tpu.core_type<sc_vector_subcore>, window_params = [{transform_indices = #map}, {transform_indices = #map1}, {transform_indices = #map1}, {transform_indices = #map1}, {transform_indices = #map1}, {transform_indices = #map}]} {
    %mul3A = arith.constant 2 : i32
    %mul3A_0 = arith.muli %arg1, %mul3A : i32
    %add3A = arith.addi %mul3A_0, %arg0 : i32
    %mul3A_1 = arith.constant 128 : i32
    %mul3A_2 = arith.muli %add3A, %mul3A_1 : i32
    %add3A_3 = arith.constant 0 : i32
    %add3A_4 = arith.addi %mul3A_2, %add3A_3 : i32
    %dma_start3A = arith.constant 0 : i32
    %dma_start3A_5 = tpu.memref_slice %arg2[%add3A_4, %dma_start3A] : memref<4096x1024xf32, #tpu.memory_space<hbm>> -> memref<8x1024xf32, #tpu.memory_space<hbm>>
    %dma_start3A_6 = arith.constant 0 : i32
    %dma_start3A_7 = tpu.memref_slice %arg2[%add3A_4, %dma_start3A_6] : memref<4096x1024xf32, #tpu.memory_space<hbm>> -> memref<8x1024xf32, #tpu.memory_space<hbm>>
    tpu.enqueue_dma source(%dma_start3A_7 : memref<8x1024xf32, #tpu.memory_space<hbm>>) target(%arg14 : memref<8x1024xf32, #tpu.memory_space<vmem>>) target_semaphore(%arg16 : memref<!tpu.dma_semaphore, #tpu.memory_space<semaphore_mem>>)
    %add3A_8 = arith.constant 8 : i32
    %add3A_9 = arith.addi %mul3A_2, %add3A_8 : i32
    %dma_start3A_10 = arith.constant 0 : i32
    %dma_start3A_11 = tpu.memref_slice %arg2[%add3A_9, %dma_start3A_10] : memref<4096x1024xf32, #tpu.memory_space<hbm>> -> memref<8x1024xf32, #tpu.memory_space<hbm>>
    %dma_start3A_12 = arith.constant 0 : i32
    %dma_start3A_13 = tpu.memref_slice %arg2[%add3A_9, %dma_start3A_12] : memref<4096x1024xf32, #tpu.memory_space<hbm>> -> memref<8x1024xf32, #tpu.memory_space<hbm>>
    tpu.enqueue_dma source(%dma_start3A_13 : memref<8x1024xf32, #tpu.memory_space<hbm>>) target(%arg15 : memref<8x1024xf32, #tpu.memory_space<vmem>>) target_semaphore(%arg17 : memref<!tpu.dma_semaphore, #tpu.memory_space<semaphore_mem>>)
    tpu.enqueue_dma source(%arg3 : memref<1006xi32, #tpu.memory_space<hbm>>) target(%arg8 : memref<1006xi32, #tpu.memory_space<vmem>>) target_semaphore(%arg18 : memref<!tpu.dma_semaphore, #tpu.memory_space<semaphore_mem>>)
    tpu.enqueue_dma source(%arg4 : memref<1006xi32, #tpu.memory_space<hbm>>) target(%arg9 : memref<1006xi32, #tpu.memory_space<vmem>>) target_semaphore(%arg18 : memref<!tpu.dma_semaphore, #tpu.memory_space<semaphore_mem>>)
    tpu.enqueue_dma source(%arg5 : memref<1042xi32, #tpu.memory_space<hbm>>) target(%arg10 : memref<1042xi32, #tpu.memory_space<vmem>>) target_semaphore(%arg18 : memref<!tpu.dma_semaphore, #tpu.memory_space<semaphore_mem>>)
    tpu.enqueue_dma source(%arg6 : memref<1042xi32, #tpu.memory_space<hbm>>) target(%arg11 : memref<1042xi32, #tpu.memory_space<vmem>>) target_semaphore(%arg18 : memref<!tpu.dma_semaphore, #tpu.memory_space<semaphore_mem>>)
    tpu.wait_dma2 semaphore(%arg18 : memref<!tpu.dma_semaphore, #tpu.memory_space<semaphore_mem>>) src(%arg3 : memref<1006xi32, #tpu.memory_space<hbm>>) dst(%arg8 : memref<1006xi32, #tpu.memory_space<vmem>>)
    tpu.wait_dma2 semaphore(%arg18 : memref<!tpu.dma_semaphore, #tpu.memory_space<semaphore_mem>>) src(%arg4 : memref<1006xi32, #tpu.memory_space<hbm>>) dst(%arg9 : memref<1006xi32, #tpu.memory_space<vmem>>)
    tpu.wait_dma2 semaphore(%arg18 : memref<!tpu.dma_semaphore, #tpu.memory_space<semaphore_mem>>) src(%arg5 : memref<1042xi32, #tpu.memory_space<hbm>>) dst(%arg10 : memref<1042xi32, #tpu.memory_space<vmem>>)
    tpu.wait_dma2 semaphore(%arg18 : memref<!tpu.dma_semaphore, #tpu.memory_space<semaphore_mem>>) src(%arg6 : memref<1042xi32, #tpu.memory_space<hbm>>) dst(%arg11 : memref<1042xi32, #tpu.memory_space<vmem>>)
    %iota3A = tpu.iota {dimensions = array<i32: 0>} : vector<16xi32>
    %broadcast_in_dim3A = arith.constant 0 : i32
    %broadcast_in_dim3A_14 = vector.broadcast %broadcast_in_dim3A : i32 to vector<16xi32>
    %broadcast_in_dim3A_15 = arith.constant 1005 : i32
    %broadcast_in_dim3A_16 = vector.broadcast %broadcast_in_dim3A_15 : i32 to vector<16xi32>
    %broadcast_in_dim3A_17 = arith.constant 1006 : i32
    %broadcast_in_dim3A_18 = vector.broadcast %broadcast_in_dim3A_17 : i32 to vector<16xi32>
    %broadcast_in_dim3A_19 = arith.constant 1.000000e+00 : f32
    %broadcast_in_dim3A_20 = vector.broadcast %broadcast_in_dim3A_19 : f32 to vector<16xf32>
    %scan3A = arith.constant 0 : i32
    %scan3A_21 = arith.constant 0 : i32
    %scan3A_22 = arith.constant 62 : i32
    %scan3A_23 = arith.addi %scan3A_21, %scan3A_22 : i32
    %scan3A_24 = arith.constant 2 : i32
    scf.for %scan3A_107 = %scan3A_21 to %scan3A_23 step %scan3A_24  : i32 {
      %mul3A_108 = arith.constant 16 : i32
      %mul3A_109 = arith.muli %scan3A_107, %mul3A_108 : i32
      %add3A_110 = vector.broadcast %mul3A_109 : i32 to vector<16xi32>
      %add3A_111 = arith.addi %iota3A, %add3A_110 : vector<16xi32>
      %min3A_112 = arith.minsi %add3A_111, %broadcast_in_dim3A_16 : vector<16xi32>
      %gather3A_113 = tpu.vector_load_idx %arg8[%min3A_112] : memref<1006xi32, #tpu.memory_space<vmem>>[vector<16xi32>], vector<16xi32>,
      %gather3A_114 = tpu.vector_load_idx %arg9[%min3A_112] : memref<1006xi32, #tpu.memory_space<vmem>>[vector<16xi32>], vector<16xi32>,
      %sub3A_115 = arith.constant 1 : i32
      %sub3A_116 = vector.broadcast %sub3A_115 : i32 to vector<16xi32>
      %sub3A_117 = arith.subi %add3A_111, %sub3A_116 : vector<16xi32>
      %max3A_118 = arith.maxsi %sub3A_117, %broadcast_in_dim3A_14 : vector<16xi32>
      %ge3A_119 = arith.cmpi sge, %sub3A_117, %broadcast_in_dim3A_14 : vector<16xi32>
      %gather3A_120 = tpu.vector_load_idx %arg8[%max3A_118] : memref<1006xi32, #tpu.memory_space<vmem>>[vector<16xi32>], vector<16xi32>,
      %eq3A_121 = arith.cmpi eq, %gather3A_120, %gather3A_113 : vector<16xi32>
      %and3A_122 = arith.andi %ge3A_119, %eq3A_121 : vector<16xi1>
      %jit3A_123 = arith.constant 1 : i32
      %jit3A_124 = arith.constant 0 : i32
      %broadcast_in_dim3A_125 = vector.broadcast %jit3A_123 : i32 to vector<16xi32>
      %broadcast_in_dim3A_126 = vector.broadcast %jit3A_124 : i32 to vector<16xi32>
      %select_n3A_127 = arith.select %and3A_122, %broadcast_in_dim3A_125, %broadcast_in_dim3A_126 : vector<16xi1>, vector<16xi32>
      %add3A_128 = arith.addi %broadcast_in_dim3A_14, %select_n3A_127 : vector<16xi32>
      %sub3A_129 = arith.constant 2 : i32
      %sub3A_130 = vector.broadcast %sub3A_129 : i32 to vector<16xi32>
      %sub3A_131 = arith.subi %add3A_111, %sub3A_130 : vector<16xi32>
      %max3A_132 = arith.maxsi %sub3A_131, %broadcast_in_dim3A_14 : vector<16xi32>
      %ge3A_133 = arith.cmpi sge, %sub3A_131, %broadcast_in_dim3A_14 : vector<16xi32>
      %gather3A_134 = tpu.vector_load_idx %arg8[%max3A_132] : memref<1006xi32, #tpu.memory_space<vmem>>[vector<16xi32>], vector<16xi32>,
      %eq3A_135 = arith.cmpi eq, %gather3A_134, %gather3A_113 : vector<16xi32>
      %and3A_136 = arith.andi %ge3A_133, %eq3A_135 : vector<16xi1>
      %jit3A_137 = arith.constant 1 : i32
      %jit3A_138 = arith.constant 0 : i32
      %broadcast_in_dim3A_139 = vector.broadcast %jit3A_137 : i32 to vector<16xi32>
      %broadcast_in_dim3A_140 = vector.broadcast %jit3A_138 : i32 to vector<16xi32>
      %select_n3A_141 = arith.select %and3A_136, %broadcast_in_dim3A_139, %broadcast_in_dim3A_140 : vector<16xi1>, vector<16xi32>
      %add3A_142 = arith.addi %add3A_128, %select_n3A_141 : vector<16xi32>
      %sub3A_143 = arith.constant 3 : i32
      %sub3A_144 = vector.broadcast %sub3A_143 : i32 to vector<16xi32>
      %sub3A_145 = arith.subi %add3A_111, %sub3A_144 : vector<16xi32>
      %max3A_146 = arith.maxsi %sub3A_145, %broadcast_in_dim3A_14 : vector<16xi32>
      %ge3A_147 = arith.cmpi sge, %sub3A_145, %broadcast_in_dim3A_14 : vector<16xi32>
      %gather3A_148 = tpu.vector_load_idx %arg8[%max3A_146] : memref<1006xi32, #tpu.memory_space<vmem>>[vector<16xi32>], vector<16xi32>,
      %eq3A_149 = arith.cmpi eq, %gather3A_148, %gather3A_113 : vector<16xi32>
      %and3A_150 = arith.andi %ge3A_147, %eq3A_149 : vector<16xi1>
      %jit3A_151 = arith.constant 1 : i32
      %jit3A_152 = arith.constant 0 : i32
      %broadcast_in_dim3A_153 = vector.broadcast %jit3A_151 : i32 to vector<16xi32>
      %broadcast_in_dim3A_154 = vector.broadcast %jit3A_152 : i32 to vector<16xi32>
      %select_n3A_155 = arith.select %and3A_150, %broadcast_in_dim3A_153, %broadcast_in_dim3A_154 : vector<16xi1>, vector<16xi32>
      %add3A_156 = arith.addi %add3A_142, %select_n3A_155 : vector<16xi32>
      %mul3A_157 = arith.constant 512 : i32
      %mul3A_158 = vector.broadcast %mul3A_157 : i32 to vector<16xi32>
      %mul3A_159 = arith.muli %add3A_156, %mul3A_158 : vector<16xi32>
      %add3A_160 = arith.addi %mul3A_159, %gather3A_113 : vector<16xi32>
      %lt3A_161 = arith.cmpi slt, %add3A_111, %broadcast_in_dim3A_18 : vector<16xi32>
      tpu.vector_store_idx %arg12[%add3A_160], %gather3A_114 masked %lt3A_161 : memref<2048xi32, #tpu.memory_space<vmem>>[vector<16xi32>], vector<16xi32>, vector<16xi1>
      tpu.vector_store_idx %arg13[%add3A_160], %broadcast_in_dim3A_20 masked %lt3A_161 : memref<2048xf32, #tpu.memory_space<vmem>>[vector<16xi32>], vector<16xf32>, vector<16xi1>
      %scan3A_162 = arith.constant 1 : i32
      %scan3A_163 = arith.addi %scan3A_107, %scan3A_162 : i32
      %mul3A_164 = arith.constant 16 : i32
      %mul3A_165 = arith.muli %scan3A_163, %mul3A_164 : i32
      %add3A_166 = vector.broadcast %mul3A_165 : i32 to vector<16xi32>
      %add3A_167 = arith.addi %iota3A, %add3A_166 : vector<16xi32>
      %min3A_168 = arith.minsi %add3A_167, %broadcast_in_dim3A_16 : vector<16xi32>
      %gather3A_169 = tpu.vector_load_idx %arg8[%min3A_168] : memref<1006xi32, #tpu.memory_space<vmem>>[vector<16xi32>], vector<16xi32>,
      %gather3A_170 = tpu.vector_load_idx %arg9[%min3A_168] : memref<1006xi32, #tpu.memory_space<vmem>>[vector<16xi32>], vector<16xi32>,
      %sub3A_171 = arith.constant 1 : i32
      %sub3A_172 = vector.broadcast %sub3A_171 : i32 to vector<16xi32>
      %sub3A_173 = arith.subi %add3A_167, %sub3A_172 : vector<16xi32>
      %max3A_174 = arith.maxsi %sub3A_173, %broadcast_in_dim3A_14 : vector<16xi32>
      %ge3A_175 = arith.cmpi sge, %sub3A_173, %broadcast_in_dim3A_14 : vector<16xi32>
      %gather3A_176 = tpu.vector_load_idx %arg8[%max3A_174] : memref<1006xi32, #tpu.memory_space<vmem>>[vector<16xi32>], vector<16xi32>,
      %eq3A_177 = arith.cmpi eq, %gather3A_176, %gather3A_169 : vector<16xi32>
      %and3A_178 = arith.andi %ge3A_175, %eq3A_177 : vector<16xi1>
      %jit3A_179 = arith.constant 1 : i32
      %jit3A_180 = arith.constant 0 : i32
      %broadcast_in_dim3A_181 = vector.broadcast %jit3A_179 : i32 to vector<16xi32>
      %broadcast_in_dim3A_182 = vector.broadcast %jit3A_180 : i32 to vector<16xi32>
      %select_n3A_183 = arith.select %and3A_178, %broadcast_in_dim3A_181, %broadcast_in_dim3A_182 : vector<16xi1>, vector<16xi32>
      %add3A_184 = arith.addi %broadcast_in_dim3A_14, %select_n3A_183 : vector<16xi32>
      %sub3A_185 = arith.constant 2 : i32
      %sub3A_186 = vector.broadcast %sub3A_185 : i32 to vector<16xi32>
      %sub3A_187 = arith.subi %add3A_167, %sub3A_186 : vector<16xi32>
      %max3A_188 = arith.maxsi %sub3A_187, %broadcast_in_dim3A_14 : vector<16xi32>
      %ge3A_189 = arith.cmpi sge, %sub3A_187, %broadcast_in_dim3A_14 : vector<16xi32>
      %gather3A_190 = tpu.vector_load_idx %arg8[%max3A_188] : memref<1006xi32, #tpu.memory_space<vmem>>[vector<16xi32>], vector<16xi32>,
      %eq3A_191 = arith.cmpi eq, %gather3A_190, %gather3A_169 : vector<16xi32>
      %and3A_192 = arith.andi %ge3A_189, %eq3A_191 : vector<16xi1>
      %jit3A_193 = arith.constant 1 : i32
      %jit3A_194 = arith.constant 0 : i32
      %broadcast_in_dim3A_195 = vector.broadcast %jit3A_193 : i32 to vector<16xi32>
      %broadcast_in_dim3A_196 = vector.broadcast %jit3A_194 : i32 to vector<16xi32>
      %select_n3A_197 = arith.select %and3A_192, %broadcast_in_dim3A_195, %broadcast_in_dim3A_196 : vector<16xi1>, vector<16xi32>
      %add3A_198 = arith.addi %add3A_184, %select_n3A_197 : vector<16xi32>
      %sub3A_199 = arith.constant 3 : i32
      %sub3A_200 = vector.broadcast %sub3A_199 : i32 to vector<16xi32>
      %sub3A_201 = arith.subi %add3A_167, %sub3A_200 : vector<16xi32>
      %max3A_202 = arith.maxsi %sub3A_201, %broadcast_in_dim3A_14 : vector<16xi32>
      %ge3A_203 = arith.cmpi sge, %sub3A_201, %broadcast_in_dim3A_14 : vector<16xi32>
      %gather3A_204 = tpu.vector_load_idx %arg8[%max3A_202] : memref<1006xi32, #tpu.memory_space<vmem>>[vector<16xi32>], vector<16xi32>,
      %eq3A_205 = arith.cmpi eq, %gather3A_204, %gather3A_169 : vector<16xi32>
      %and3A_206 = arith.andi %ge3A_203, %eq3A_205 : vector<16xi1>
      %jit3A_207 = arith.constant 1 : i32
      %jit3A_208 = arith.constant 0 : i32
      %broadcast_in_dim3A_209 = vector.broadcast %jit3A_207 : i32 to vector<16xi32>
      %broadcast_in_dim3A_210 = vector.broadcast %jit3A_208 : i32 to vector<16xi32>
      %select_n3A_211 = arith.select %and3A_206, %broadcast_in_dim3A_209, %broadcast_in_dim3A_210 : vector<16xi1>, vector<16xi32>
      %add3A_212 = arith.addi %add3A_198, %select_n3A_211 : vector<16xi32>
      %mul3A_213 = arith.constant 512 : i32
      %mul3A_214 = vector.broadcast %mul3A_213 : i32 to vector<16xi32>
      %mul3A_215 = arith.muli %add3A_212, %mul3A_214 : vector<16xi32>
      %add3A_216 = arith.addi %mul3A_215, %gather3A_169 : vector<16xi32>
      %lt3A_217 = arith.cmpi slt, %add3A_167, %broadcast_in_dim3A_18 : vector<16xi32>
      tpu.vector_store_idx %arg12[%add3A_216], %gather3A_170 masked %lt3A_217 : memref<2048xi32, #tpu.memory_space<vmem>>[vector<16xi32>], vector<16xi32>, vector<16xi1>
      tpu.vector_store_idx %arg13[%add3A_216], %broadcast_in_dim3A_20 masked %lt3A_217 : memref<2048xf32, #tpu.memory_space<vmem>>[vector<16xi32>], vector<16xf32>, vector<16xi1>
    }
    %scan3A_25 = arith.constant 62 : i32
    %scan3A_26 = arith.addi %scan3A_21, %scan3A_25 : i32
    %mul3A_27 = arith.constant 16 : i32
    %mul3A_28 = arith.muli %scan3A_26, %mul3A_27 : i32
    %add3A_29 = vector.broadcast %mul3A_28 : i32 to vector<16xi32>
    %add3A_30 = arith.addi %iota3A, %add3A_29 : vector<16xi32>
    %min3A = arith.minsi %add3A_30, %broadcast_in_dim3A_16 : vector<16xi32>
    %gather3A = tpu.vector_load_idx %arg8[%min3A] : memref<1006xi32, #tpu.memory_space<vmem>>[vector<16xi32>], vector<16xi32>,
    %gather3A_31 = tpu.vector_load_idx %arg9[%min3A] : memref<1006xi32, #tpu.memory_space<vmem>>[vector<16xi32>], vector<16xi32>,
    %sub3A = arith.constant 1 : i32
    %sub3A_32 = vector.broadcast %sub3A : i32 to vector<16xi32>
    %sub3A_33 = arith.subi %add3A_30, %sub3A_32 : vector<16xi32>
    %max3A = arith.maxsi %sub3A_33, %broadcast_in_dim3A_14 : vector<16xi32>
    %ge3A = arith.cmpi sge, %sub3A_33, %broadcast_in_dim3A_14 : vector<16xi32>
    %gather3A_34 = tpu.vector_load_idx %arg8[%max3A] : memref<1006xi32, #tpu.memory_space<vmem>>[vector<16xi32>], vector<16xi32>,
    %eq3A = arith.cmpi eq, %gather3A_34, %gather3A : vector<16xi32>
    %and3A = arith.andi %ge3A, %eq3A : vector<16xi1>
    %jit3A = arith.constant 1 : i32
    %jit3A_35 = arith.constant 0 : i32
    %broadcast_in_dim3A_36 = vector.broadcast %jit3A : i32 to vector<16xi32>
    %broadcast_in_dim3A_37 = vector.broadcast %jit3A_35 : i32 to vector<16xi32>
    %select_n3A = arith.select %and3A, %broadcast_in_dim3A_36, %broadcast_in_dim3A_37 : vector<16xi1>, vector<16xi32>
    %add3A_38 = arith.addi %broadcast_in_dim3A_14, %select_n3A : vector<16xi32>
    %sub3A_39 = arith.constant 2 : i32
    %sub3A_40 = vector.broadcast %sub3A_39 : i32 to vector<16xi32>
    %sub3A_41 = arith.subi %add3A_30, %sub3A_40 : vector<16xi32>
    %max3A_42 = arith.maxsi %sub3A_41, %broadcast_in_dim3A_14 : vector<16xi32>
    %ge3A_43 = arith.cmpi sge, %sub3A_41, %broadcast_in_dim3A_14 : vector<16xi32>
    %gather3A_44 = tpu.vector_load_idx %arg8[%max3A_42] : memref<1006xi32, #tpu.memory_space<vmem>>[vector<16xi32>], vector<16xi32>,
    %eq3A_45 = arith.cmpi eq, %gather3A_44, %gather3A : vector<16xi32>
    %and3A_46 = arith.andi %ge3A_43, %eq3A_45 : vector<16xi1>
    %jit3A_47 = arith.constant 1 : i32
    %jit3A_48 = arith.constant 0 : i32
    %broadcast_in_dim3A_49 = vector.broadcast %jit3A_47 : i32 to vector<16xi32>
    %broadcast_in_dim3A_50 = vector.broadcast %jit3A_48 : i32 to vector<16xi32>
    %select_n3A_51 = arith.select %and3A_46, %broadcast_in_dim3A_49, %broadcast_in_dim3A_50 : vector<16xi1>, vector<16xi32>
    %add3A_52 = arith.addi %add3A_38, %select_n3A_51 : vector<16xi32>
    %sub3A_53 = arith.constant 3 : i32
    %sub3A_54 = vector.broadcast %sub3A_53 : i32 to vector<16xi32>
    %sub3A_55 = arith.subi %add3A_30, %sub3A_54 : vector<16xi32>
    %max3A_56 = arith.maxsi %sub3A_55, %broadcast_in_dim3A_14 : vector<16xi32>
    %ge3A_57 = arith.cmpi sge, %sub3A_55, %broadcast_in_dim3A_14 : vector<16xi32>
    %gather3A_58 = tpu.vector_load_idx %arg8[%max3A_56] : memref<1006xi32, #tpu.memory_space<vmem>>[vector<16xi32>], vector<16xi32>,
    %eq3A_59 = arith.cmpi eq, %gather3A_58, %gather3A : vector<16xi32>
    %and3A_60 = arith.andi %ge3A_57, %eq3A_59 : vector<16xi1>
    %jit3A_61 = arith.constant 1 : i32
    %jit3A_62 = arith.constant 0 : i32
    %broadcast_in_dim3A_63 = vector.broadcast %jit3A_61 : i32 to vector<16xi32>
    %broadcast_in_dim3A_64 = vector.broadcast %jit3A_62 : i32 to vector<16xi32>
    %select_n3A_65 = arith.select %and3A_60, %broadcast_in_dim3A_63, %broadcast_in_dim3A_64 : vector<16xi1>, vector<16xi32>
    %add3A_66 = arith.addi %add3A_52, %select_n3A_65 : vector<16xi32>
    %mul3A_67 = arith.constant 512 : i32
    %mul3A_68 = vector.broadcast %mul3A_67 : i32 to vector<16xi32>
    %mul3A_69 = arith.muli %add3A_66, %mul3A_68 : vector<16xi32>
    %add3A_70 = arith.addi %mul3A_69, %gather3A : vector<16xi32>
    %lt3A = arith.cmpi slt, %add3A_30, %broadcast_in_dim3A_18 : vector<16xi32>
    tpu.vector_store_idx %arg12[%add3A_70], %gather3A_31 masked %lt3A : memref<2048xi32, #tpu.memory_space<vmem>>[vector<16xi32>], vector<16xi32>, vector<16xi1>
    tpu.vector_store_idx %arg13[%add3A_70], %broadcast_in_dim3A_20 masked %lt3A : memref<2048xf32, #tpu.memory_space<vmem>>[vector<16xi32>], vector<16xf32>, vector<16xi1>
    %scan3A_71 = arith.constant 63 : i32
    %broadcast_in_dim3A_72 = arith.constant 1041 : i32
    %broadcast_in_dim3A_73 = vector.broadcast %broadcast_in_dim3A_72 : i32 to vector<16xi32>
    %broadcast_in_dim3A_74 = arith.constant 1042 : i32
    %broadcast_in_dim3A_75 = vector.broadcast %broadcast_in_dim3A_74 : i32 to vector<16xi32>
    %broadcast_in_dim3A_76 = arith.constant -1.000000e+00 : f32
    %broadcast_in_dim3A_77 = vector.broadcast %broadcast_in_dim3A_76 : f32 to vector<16xf32>
    %scan3A_78 = arith.constant 0 : i32
    %scan3A_79 = arith.constant 0 : i32
    %scan3A_80 = arith.constant 66 : i32
    %scan3A_81 = arith.addi %scan3A_79, %scan3A_80 : i32
    %scan3A_82 = arith.constant 2 : i32
    scf.for %scan3A_107 = %scan3A_79 to %scan3A_81 step %scan3A_82  : i32 {
      %mul3A_108 = arith.constant 16 : i32
      %mul3A_109 = arith.muli %scan3A_107, %mul3A_108 : i32
      %add3A_110 = vector.broadcast %mul3A_109 : i32 to vector<16xi32>
      %add3A_111 = arith.addi %iota3A, %add3A_110 : vector<16xi32>
      %min3A_112 = arith.minsi %add3A_111, %broadcast_in_dim3A_73 : vector<16xi32>
      %gather3A_113 = tpu.vector_load_idx %arg10[%min3A_112] : memref<1042xi32, #tpu.memory_space<vmem>>[vector<16xi32>], vector<16xi32>,
      %gather3A_114 = tpu.vector_load_idx %arg11[%min3A_112] : memref<1042xi32, #tpu.memory_space<vmem>>[vector<16xi32>], vector<16xi32>,
      %add3A_115 = arith.constant 1 : i32
      %add3A_116 = vector.broadcast %add3A_115 : i32 to vector<16xi32>
      %add3A_117 = arith.addi %add3A_111, %add3A_116 : vector<16xi32>
      %min3A_118 = arith.minsi %add3A_117, %broadcast_in_dim3A_73 : vector<16xi32>
      %lt3A_119 = arith.cmpi slt, %add3A_117, %broadcast_in_dim3A_75 : vector<16xi32>
      %gather3A_120 = tpu.vector_load_idx %arg10[%min3A_118] : memref<1042xi32, #tpu.memory_space<vmem>>[vector<16xi32>], vector<16xi32>,
      %eq3A_121 = arith.cmpi eq, %gather3A_120, %gather3A_113 : vector<16xi32>
      %and3A_122 = arith.andi %lt3A_119, %eq3A_121 : vector<16xi1>
      %jit3A_123 = arith.constant 1 : i32
      %jit3A_124 = arith.constant 0 : i32
      %broadcast_in_dim3A_125 = vector.broadcast %jit3A_123 : i32 to vector<16xi32>
      %broadcast_in_dim3A_126 = vector.broadcast %jit3A_124 : i32 to vector<16xi32>
      %select_n3A_127 = arith.select %and3A_122, %broadcast_in_dim3A_125, %broadcast_in_dim3A_126 : vector<16xi1>, vector<16xi32>
      %add3A_128 = arith.addi %broadcast_in_dim3A_14, %select_n3A_127 : vector<16xi32>
      %add3A_129 = arith.constant 2 : i32
      %add3A_130 = vector.broadcast %add3A_129 : i32 to vector<16xi32>
      %add3A_131 = arith.addi %add3A_111, %add3A_130 : vector<16xi32>
      %min3A_132 = arith.minsi %add3A_131, %broadcast_in_dim3A_73 : vector<16xi32>
      %lt3A_133 = arith.cmpi slt, %add3A_131, %broadcast_in_dim3A_75 : vector<16xi32>
      %gather3A_134 = tpu.vector_load_idx %arg10[%min3A_132] : memref<1042xi32, #tpu.memory_space<vmem>>[vector<16xi32>], vector<16xi32>,
      %eq3A_135 = arith.cmpi eq, %gather3A_134, %gather3A_113 : vector<16xi32>
      %and3A_136 = arith.andi %lt3A_133, %eq3A_135 : vector<16xi1>
      %jit3A_137 = arith.constant 1 : i32
      %jit3A_138 = arith.constant 0 : i32
      %broadcast_in_dim3A_139 = vector.broadcast %jit3A_137 : i32 to vector<16xi32>
      %broadcast_in_dim3A_140 = vector.broadcast %jit3A_138 : i32 to vector<16xi32>
      %select_n3A_141 = arith.select %and3A_136, %broadcast_in_dim3A_139, %broadcast_in_dim3A_140 : vector<16xi1>, vector<16xi32>
      %add3A_142 = arith.addi %add3A_128, %select_n3A_141 : vector<16xi32>
      %add3A_143 = arith.constant 3 : i32
      %add3A_144 = vector.broadcast %add3A_143 : i32 to vector<16xi32>
      %add3A_145 = arith.addi %add3A_111, %add3A_144 : vector<16xi32>
      %min3A_146 = arith.minsi %add3A_145, %broadcast_in_dim3A_73 : vector<16xi32>
      %lt3A_147 = arith.cmpi slt, %add3A_145, %broadcast_in_dim3A_75 : vector<16xi32>
      %gather3A_148 = tpu.vector_load_idx %arg10[%min3A_146] : memref<1042xi32, #tpu.memory_space<vmem>>[vector<16xi32>], vector<16xi32>,
      %eq3A_149 = arith.cmpi eq, %gather3A_148, %gather3A_113 : vector<16xi32>
      %and3A_150 = arith.andi %lt3A_147, %eq3A_149 : vector<16xi1>
      %jit3A_151 = arith.constant 1 : i32
      %jit3A_152 = arith.constant 0 : i32
      %broadcast_in_dim3A_153 = vector.broadcast %jit3A_151 : i32 to vector<16xi32>
      %broadcast_in_dim3A_154 = vector.broadcast %jit3A_152 : i32 to vector<16xi32>
      %select_n3A_155 = arith.select %and3A_150, %broadcast_in_dim3A_153, %broadcast_in_dim3A_154 : vector<16xi1>, vector<16xi32>
      %add3A_156 = arith.addi %add3A_142, %select_n3A_155 : vector<16xi32>
      %sub3A_157 = arith.constant 3 : i32
      %sub3A_158 = vector.broadcast %sub3A_157 : i32 to vector<16xi32>
      %sub3A_159 = arith.subi %sub3A_158, %add3A_156 : vector<16xi32>
      %mul3A_160 = arith.constant 512 : i32
      %mul3A_161 = vector.broadcast %mul3A_160 : i32 to vector<16xi32>
      %mul3A_162 = arith.muli %sub3A_159, %mul3A_161 : vector<16xi32>
      %add3A_163 = arith.addi %mul3A_162, %gather3A_113 : vector<16xi32>
      %lt3A_164 = arith.cmpi slt, %add3A_111, %broadcast_in_dim3A_75 : vector<16xi32>
      tpu.vector_store_idx %arg12[%add3A_163], %gather3A_114 masked %lt3A_164 : memref<2048xi32, #tpu.memory_space<vmem>>[vector<16xi32>], vector<16xi32>, vector<16xi1>
      tpu.vector_store_idx %arg13[%add3A_163], %broadcast_in_dim3A_77 masked %lt3A_164 : memref<2048xf32, #tpu.memory_space<vmem>>[vector<16xi32>], vector<16xf32>, vector<16xi1>
      %scan3A_165 = arith.constant 1 : i32
      %scan3A_166 = arith.addi %scan3A_107, %scan3A_165 : i32
      %mul3A_167 = arith.constant 16 : i32
      %mul3A_168 = arith.muli %scan3A_166, %mul3A_167 : i32
      %add3A_169 = vector.broadcast %mul3A_168 : i32 to vector<16xi32>
      %add3A_170 = arith.addi %iota3A, %add3A_169 : vector<16xi32>
      %min3A_171 = arith.minsi %add3A_170, %broadcast_in_dim3A_73 : vector<16xi32>
      %gather3A_172 = tpu.vector_load_idx %arg10[%min3A_171] : memref<1042xi32, #tpu.memory_space<vmem>>[vector<16xi32>], vector<16xi32>,
      %gather3A_173 = tpu.vector_load_idx %arg11[%min3A_171] : memref<1042xi32, #tpu.memory_space<vmem>>[vector<16xi32>], vector<16xi32>,
      %add3A_174 = arith.constant 1 : i32
      %add3A_175 = vector.broadcast %add3A_174 : i32 to vector<16xi32>
      %add3A_176 = arith.addi %add3A_170, %add3A_175 : vector<16xi32>
      %min3A_177 = arith.minsi %add3A_176, %broadcast_in_dim3A_73 : vector<16xi32>
      %lt3A_178 = arith.cmpi slt, %add3A_176, %broadcast_in_dim3A_75 : vector<16xi32>
      %gather3A_179 = tpu.vector_load_idx %arg10[%min3A_177] : memref<1042xi32, #tpu.memory_space<vmem>>[vector<16xi32>], vector<16xi32>,
      %eq3A_180 = arith.cmpi eq, %gather3A_179, %gather3A_172 : vector<16xi32>
      %and3A_181 = arith.andi %lt3A_178, %eq3A_180 : vector<16xi1>
      %jit3A_182 = arith.constant 1 : i32
      %jit3A_183 = arith.constant 0 : i32
      %broadcast_in_dim3A_184 = vector.broadcast %jit3A_182 : i32 to vector<16xi32>
      %broadcast_in_dim3A_185 = vector.broadcast %jit3A_183 : i32 to vector<16xi32>
      %select_n3A_186 = arith.select %and3A_181, %broadcast_in_dim3A_184, %broadcast_in_dim3A_185 : vector<16xi1>, vector<16xi32>
      %add3A_187 = arith.addi %broadcast_in_dim3A_14, %select_n3A_186 : vector<16xi32>
      %add3A_188 = arith.constant 2 : i32
      %add3A_189 = vector.broadcast %add3A_188 : i32 to vector<16xi32>
      %add3A_190 = arith.addi %add3A_170, %add3A_189 : vector<16xi32>
      %min3A_191 = arith.minsi %add3A_190, %broadcast_in_dim3A_73 : vector<16xi32>
      %lt3A_192 = arith.cmpi slt, %add3A_190, %broadcast_in_dim3A_75 : vector<16xi32>
      %gather3A_193 = tpu.vector_load_idx %arg10[%min3A_191] : memref<1042xi32, #tpu.memory_space<vmem>>[vector<16xi32>], vector<16xi32>,
      %eq3A_194 = arith.cmpi eq, %gather3A_193, %gather3A_172 : vector<16xi32>
      %and3A_195 = arith.andi %lt3A_192, %eq3A_194 : vector<16xi1>
      %jit3A_196 = arith.constant 1 : i32
      %jit3A_197 = arith.constant 0 : i32
      %broadcast_in_dim3A_198 = vector.broadcast %jit3A_196 : i32 to vector<16xi32>
      %broadcast_in_dim3A_199 = vector.broadcast %jit3A_197 : i32 to vector<16xi32>
      %select_n3A_200 = arith.select %and3A_195, %broadcast_in_dim3A_198, %broadcast_in_dim3A_199 : vector<16xi1>, vector<16xi32>
      %add3A_201 = arith.addi %add3A_187, %select_n3A_200 : vector<16xi32>
      %add3A_202 = arith.constant 3 : i32
      %add3A_203 = vector.broadcast %add3A_202 : i32 to vector<16xi32>
      %add3A_204 = arith.addi %add3A_170, %add3A_203 : vector<16xi32>
      %min3A_205 = arith.minsi %add3A_204, %broadcast_in_dim3A_73 : vector<16xi32>
      %lt3A_206 = arith.cmpi slt, %add3A_204, %broadcast_in_dim3A_75 : vector<16xi32>
      %gather3A_207 = tpu.vector_load_idx %arg10[%min3A_205] : memref<1042xi32, #tpu.memory_space<vmem>>[vector<16xi32>], vector<16xi32>,
      %eq3A_208 = arith.cmpi eq, %gather3A_207, %gather3A_172 : vector<16xi32>
      %and3A_209 = arith.andi %lt3A_206, %eq3A_208 : vector<16xi1>
      %jit3A_210 = arith.constant 1 : i32
      %jit3A_211 = arith.constant 0 : i32
      %broadcast_in_dim3A_212 = vector.broadcast %jit3A_210 : i32 to vector<16xi32>
      %broadcast_in_dim3A_213 = vector.broadcast %jit3A_211 : i32 to vector<16xi32>
      %select_n3A_214 = arith.select %and3A_209, %broadcast_in_dim3A_212, %broadcast_in_dim3A_213 : vector<16xi1>, vector<16xi32>
      %add3A_215 = arith.addi %add3A_201, %select_n3A_214 : vector<16xi32>
      %sub3A_216 = arith.constant 3 : i32
      %sub3A_217 = vector.broadcast %sub3A_216 : i32 to vector<16xi32>
      %sub3A_218 = arith.subi %sub3A_217, %add3A_215 : vector<16xi32>
      %mul3A_219 = arith.constant 512 : i32
      %mul3A_220 = vector.broadcast %mul3A_219 : i32 to vector<16xi32>
      %mul3A_221 = arith.muli %sub3A_218, %mul3A_220 : vector<16xi32>
      %add3A_222 = arith.addi %mul3A_221, %gather3A_172 : vector<16xi32>
      %lt3A_223 = arith.cmpi slt, %add3A_170, %broadcast_in_dim3A_75 : vector<16xi32>
      tpu.vector_store_idx %arg12[%add3A_222], %gather3A_173 masked %lt3A_223 : memref<2048xi32, #tpu.memory_space<vmem>>[vector<16xi32>], vector<16xi32>, vector<16xi1>
      tpu.vector_store_idx %arg13[%add3A_222], %broadcast_in_dim3A_77 masked %lt3A_223 : memref<2048xf32, #tpu.memory_space<vmem>>[vector<16xi32>], vector<16xf32>, vector<16xi1>
    }
    %scan3A_83 = arith.constant 66 : i32
    %broadcast_in_dim3A_84 = arith.constant 0.000000e+00 : f32
    %broadcast_in_dim3A_85 = vector.broadcast %broadcast_in_dim3A_84 : f32 to vector<16xf32>
    %scan3A_86 = arith.constant 0 : i32
    %scan3A_87 = arith.constant 8 : i32
    %scan3A_88 = arith.addi %scan3A_86, %scan3A_87 : i32
    %scan3A_89 = arith.constant 1 : i32
    %scan3A_90:4 = scf.for %scan3A_107 = %scan3A_86 to %scan3A_88 step %scan3A_89 iter_args(%scan3A_108 = %broadcast_in_dim3A_85, %scan3A_109 = %broadcast_in_dim3A_85, %scan3A_110 = %broadcast_in_dim3A_85, %scan3A_111 = %broadcast_in_dim3A_85) -> (vector<16xf32>, vector<16xf32>, vector<16xf32>, vector<16xf32>)  : i32 {
      %mul3A_112 = arith.constant 2 : i32
      %mul3A_113 = arith.muli %mul3A_112, %scan3A_107 : i32
      %add3A_114 = arith.constant 2 : i32
      %add3A_115 = arith.addi %mul3A_113, %add3A_114 : i32
      %min3A_116 = arith.constant 15 : i32
      %min3A_117 = arith.minsi %add3A_115, %min3A_116 : i32
      %mul3A_118 = arith.constant 2 : i32
      %mul3A_119 = arith.muli %mul3A_118, %scan3A_107 : i32
      %add3A_120 = arith.constant 3 : i32
      %add3A_121 = arith.addi %mul3A_119, %add3A_120 : i32
      %min3A_122 = arith.constant 15 : i32
      %min3A_123 = arith.minsi %add3A_121, %min3A_122 : i32
      %dma_wait3A_124 = arith.constant 0 : i32
      %dma_wait3A_125 = arith.constant 0 : i32
      %dma_wait3A_126 = tpu.memref_slice %arg2[%dma_wait3A_124, %dma_wait3A_125] : memref<4096x1024xf32, #tpu.memory_space<hbm>> -> memref<8x1024xf32, #tpu.memory_space<hbm>>
      %dma_wait3A_127 = arith.constant 0 : i32
      %dma_wait3A_128 = arith.constant 0 : i32
      %dma_wait3A_129 = tpu.memref_slice %arg2[%dma_wait3A_127, %dma_wait3A_128] : memref<4096x1024xf32, #tpu.memory_space<hbm>> -> memref<8x1024xf32, #tpu.memory_space<hbm>>
      tpu.wait_dma2 semaphore(%arg16 : memref<!tpu.dma_semaphore, #tpu.memory_space<semaphore_mem>>) src(%dma_wait3A_129 : memref<8x1024xf32, #tpu.memory_space<hbm>>) dst(%arg14 : memref<8x1024xf32, #tpu.memory_space<vmem>>)
      %broadcast_in_dim3A_130 = arith.constant 5.000000e-01 : f32
      %broadcast_in_dim3A_131 = vector.broadcast %broadcast_in_dim3A_130 : f32 to vector<16xf32>
      %scan3A_132 = arith.constant 0 : i32
      %scan3A_133 = arith.constant 32 : i32
      %scan3A_134 = arith.addi %scan3A_132, %scan3A_133 : i32
      %scan3A_135 = arith.constant 1 : i32
      %scan3A_136:4 = scf.for %scan3A_166 = %scan3A_132 to %scan3A_134 step %scan3A_135 iter_args(%scan3A_167 = %scan3A_108, %scan3A_168 = %scan3A_109, %scan3A_169 = %scan3A_110, %scan3A_170 = %scan3A_111) -> (vector<16xf32>, vector<16xf32>, vector<16xf32>, vector<16xf32>)  : i32 {
        %mul3A_171 = arith.constant 16 : i32
        %mul3A_172 = arith.muli %scan3A_166, %mul3A_171 : i32
        %add3A_173 = arith.constant 0 : i32
        %add3A_174 = arith.addi %add3A_173, %mul3A_172 : i32
        %get3A = arith.index_cast %add3A_174 : i32 to index
        %get3A_175 = tpu.vector_load %arg12[%get3A] {strides = array<i32>} : memref<2048xi32, #tpu.memory_space<vmem>>, vector<16xi32>,
        %add3A_176 = arith.constant 512 : i32
        %add3A_177 = arith.addi %add3A_176, %mul3A_172 : i32
        %get3A_178 = arith.index_cast %add3A_177 : i32 to index
        %get3A_179 = tpu.vector_load %arg12[%get3A_178] {strides = array<i32>} : memref<2048xi32, #tpu.memory_space<vmem>>, vector<16xi32>,
        %add3A_180 = arith.constant 1024 : i32
        %add3A_181 = arith.addi %add3A_180, %mul3A_172 : i32
        %get3A_182 = arith.index_cast %add3A_181 : i32 to index
        %get3A_183 = tpu.vector_load %arg12[%get3A_182] {strides = array<i32>} : memref<2048xi32, #tpu.memory_space<vmem>>, vector<16xi32>,
        %add3A_184 = arith.constant 1536 : i32
        %add3A_185 = arith.addi %add3A_184, %mul3A_172 : i32
        %get3A_186 = arith.index_cast %add3A_185 : i32 to index
        %get3A_187 = tpu.vector_load %arg12[%get3A_186] {strides = array<i32>} : memref<2048xi32, #tpu.memory_space<vmem>>, vector<16xi32>,
        %add3A_188 = arith.constant 0 : i32
        %add3A_189 = arith.addi %add3A_188, %mul3A_172 : i32
        %get3A_190 = arith.index_cast %add3A_189 : i32 to index
        %get3A_191 = tpu.vector_load %arg13[%get3A_190] {strides = array<i32>} : memref<2048xf32, #tpu.memory_space<vmem>>, vector<16xf32>,
        %add3A_192 = arith.constant 512 : i32
        %add3A_193 = arith.addi %add3A_192, %mul3A_172 : i32
        %get3A_194 = arith.index_cast %add3A_193 : i32 to index
        %get3A_195 = tpu.vector_load %arg13[%get3A_194] {strides = array<i32>} : memref<2048xf32, #tpu.memory_space<vmem>>, vector<16xf32>,
        %add3A_196 = arith.constant 1024 : i32
        %add3A_197 = arith.addi %add3A_196, %mul3A_172 : i32
        %get3A_198 = arith.index_cast %add3A_197 : i32 to index
        %get3A_199 = tpu.vector_load %arg13[%get3A_198] {strides = array<i32>} : memref<2048xf32, #tpu.memory_space<vmem>>, vector<16xf32>,
        %add3A_200 = arith.constant 1536 : i32
        %add3A_201 = arith.addi %add3A_200, %mul3A_172 : i32
        %get3A_202 = arith.index_cast %add3A_201 : i32 to index
        %get3A_203 = tpu.vector_load %arg13[%get3A_202] {strides = array<i32>} : memref<2048xf32, #tpu.memory_space<vmem>>, vector<16xf32>,
        %broadcast_in_dim3A_204 = arith.constant 0 : i32
        %broadcast_in_dim3A_205 = vector.broadcast %broadcast_in_dim3A_204 : i32 to vector<16xi32>
        %gather3A_206 = tpu.vector_load_idx %arg14[%broadcast_in_dim3A_205, %get3A_175] : memref<8x1024xf32, #tpu.memory_space<vmem>>[vector<16xi32>, vector<16xi32>], vector<16xf32>,
        %sub3A_207 = arith.subf %gather3A_206, %broadcast_in_dim3A_131 : vector<16xf32>
        %mul3A_208 = arith.mulf %get3A_191, %sub3A_207 : vector<16xf32>
        %gather3A_209 = tpu.vector_load_idx %arg14[%broadcast_in_dim3A_205, %get3A_179] : memref<8x1024xf32, #tpu.memory_space<vmem>>[vector<16xi32>, vector<16xi32>], vector<16xf32>,
        %sub3A_210 = arith.subf %gather3A_209, %broadcast_in_dim3A_131 : vector<16xf32>
        %mul3A_211 = arith.mulf %get3A_195, %sub3A_210 : vector<16xf32>
        %gather3A_212 = tpu.vector_load_idx %arg14[%broadcast_in_dim3A_205, %get3A_183] : memref<8x1024xf32, #tpu.memory_space<vmem>>[vector<16xi32>, vector<16xi32>], vector<16xf32>,
        %sub3A_213 = arith.subf %gather3A_212, %broadcast_in_dim3A_131 : vector<16xf32>
        %mul3A_214 = arith.mulf %get3A_199, %sub3A_213 : vector<16xf32>
        %gather3A_215 = tpu.vector_load_idx %arg14[%broadcast_in_dim3A_205, %get3A_187] : memref<8x1024xf32, #tpu.memory_space<vmem>>[vector<16xi32>, vector<16xi32>], vector<16xf32>,
        %sub3A_216 = arith.subf %gather3A_215, %broadcast_in_dim3A_131 : vector<16xf32>
        %mul3A_217 = arith.mulf %get3A_203, %sub3A_216 : vector<16xf32>
        %max3A_218 = arith.maximumf %mul3A_208, %mul3A_211 : vector<16xf32>
        %max3A_219 = arith.maximumf %mul3A_214, %mul3A_217 : vector<16xf32>
        %max3A_220 = arith.maximumf %max3A_218, %max3A_219 : vector<16xf32>
        %add3A_221 = arith.addf %scan3A_167, %max3A_220 : vector<16xf32>
        %broadcast_in_dim3A_222 = arith.constant 1 : i32
        %broadcast_in_dim3A_223 = vector.broadcast %broadcast_in_dim3A_222 : i32 to vector<16xi32>
        %gather3A_224 = tpu.vector_load_idx %arg14[%broadcast_in_dim3A_223, %get3A_175] : memref<8x1024xf32, #tpu.memory_space<vmem>>[vector<16xi32>, vector<16xi32>], vector<16xf32>,
        %sub3A_225 = arith.subf %gather3A_224, %broadcast_in_dim3A_131 : vector<16xf32>
        %mul3A_226 = arith.mulf %get3A_191, %sub3A_225 : vector<16xf32>
        %gather3A_227 = tpu.vector_load_idx %arg14[%broadcast_in_dim3A_223, %get3A_179] : memref<8x1024xf32, #tpu.memory_space<vmem>>[vector<16xi32>, vector<16xi32>], vector<16xf32>,
        %sub3A_228 = arith.subf %gather3A_227, %broadcast_in_dim3A_131 : vector<16xf32>
        %mul3A_229 = arith.mulf %get3A_195, %sub3A_228 : vector<16xf32>
        %gather3A_230 = tpu.vector_load_idx %arg14[%broadcast_in_dim3A_223, %get3A_183] : memref<8x1024xf32, #tpu.memory_space<vmem>>[vector<16xi32>, vector<16xi32>], vector<16xf32>,
        %sub3A_231 = arith.subf %gather3A_230, %broadcast_in_dim3A_131 : vector<16xf32>
        %mul3A_232 = arith.mulf %get3A_199, %sub3A_231 : vector<16xf32>
        %gather3A_233 = tpu.vector_load_idx %arg14[%broadcast_in_dim3A_223, %get3A_187] : memref<8x1024xf32, #tpu.memory_space<vmem>>[vector<16xi32>, vector<16xi32>], vector<16xf32>,
        %sub3A_234 = arith.subf %gather3A_233, %broadcast_in_dim3A_131 : vector<16xf32>
        %mul3A_235 = arith.mulf %get3A_203, %sub3A_234 : vector<16xf32>
        %max3A_236 = arith.maximumf %mul3A_226, %mul3A_229 : vector<16xf32>
        %max3A_237 = arith.maximumf %mul3A_232, %mul3A_235 : vector<16xf32>
        %max3A_238 = arith.maximumf %max3A_236, %max3A_237 : vector<16xf32>
        %add3A_239 = arith.addf %scan3A_168, %max3A_238 : vector<16xf32>
        %broadcast_in_dim3A_240 = arith.constant 2 : i32
        %broadcast_in_dim3A_241 = vector.broadcast %broadcast_in_dim3A_240 : i32 to vector<16xi32>
        %gather3A_242 = tpu.vector_load_idx %arg14[%broadcast_in_dim3A_241, %get3A_175] : memref<8x1024xf32, #tpu.memory_space<vmem>>[vector<16xi32>, vector<16xi32>], vector<16xf32>,
        %sub3A_243 = arith.subf %gather3A_242, %broadcast_in_dim3A_131 : vector<16xf32>
        %mul3A_244 = arith.mulf %get3A_191, %sub3A_243 : vector<16xf32>
        %gather3A_245 = tpu.vector_load_idx %arg14[%broadcast_in_dim3A_241, %get3A_179] : memref<8x1024xf32, #tpu.memory_space<vmem>>[vector<16xi32>, vector<16xi32>], vector<16xf32>,
        %sub3A_246 = arith.subf %gather3A_245, %broadcast_in_dim3A_131 : vector<16xf32>
        %mul3A_247 = arith.mulf %get3A_195, %sub3A_246 : vector<16xf32>
        %gather3A_248 = tpu.vector_load_idx %arg14[%broadcast_in_dim3A_241, %get3A_183] : memref<8x1024xf32, #tpu.memory_space<vmem>>[vector<16xi32>, vector<16xi32>], vector<16xf32>,
        %sub3A_249 = arith.subf %gather3A_248, %broadcast_in_dim3A_131 : vector<16xf32>
        %mul3A_250 = arith.mulf %get3A_199, %sub3A_249 : vector<16xf32>
        %gather3A_251 = tpu.vector_load_idx %arg14[%broadcast_in_dim3A_241, %get3A_187] : memref<8x1024xf32, #tpu.memory_space<vmem>>[vector<16xi32>, vector<16xi32>], vector<16xf32>,
        %sub3A_252 = arith.subf %gather3A_251, %broadcast_in_dim3A_131 : vector<16xf32>
        %mul3A_253 = arith.mulf %get3A_203, %sub3A_252 : vector<16xf32>
        %max3A_254 = arith.maximumf %mul3A_244, %mul3A_247 : vector<16xf32>
        %max3A_255 = arith.maximumf %mul3A_250, %mul3A_253 : vector<16xf32>
        %max3A_256 = arith.maximumf %max3A_254, %max3A_255 : vector<16xf32>
        %add3A_257 = arith.addf %scan3A_169, %max3A_256 : vector<16xf32>
        %broadcast_in_dim3A_258 = arith.constant 3 : i32
        %broadcast_in_dim3A_259 = vector.broadcast %broadcast_in_dim3A_258 : i32 to vector<16xi32>
        %gather3A_260 = tpu.vector_load_idx %arg14[%broadcast_in_dim3A_259, %get3A_175] : memref<8x1024xf32, #tpu.memory_space<vmem>>[vector<16xi32>, vector<16xi32>], vector<16xf32>,
        %sub3A_261 = arith.subf %gather3A_260, %broadcast_in_dim3A_131 : vector<16xf32>
        %mul3A_262 = arith.mulf %get3A_191, %sub3A_261 : vector<16xf32>
        %gather3A_263 = tpu.vector_load_idx %arg14[%broadcast_in_dim3A_259, %get3A_179] : memref<8x1024xf32, #tpu.memory_space<vmem>>[vector<16xi32>, vector<16xi32>], vector<16xf32>,
        %sub3A_264 = arith.subf %gather3A_263, %broadcast_in_dim3A_131 : vector<16xf32>
        %mul3A_265 = arith.mulf %get3A_195, %sub3A_264 : vector<16xf32>
        %gather3A_266 = tpu.vector_load_idx %arg14[%broadcast_in_dim3A_259, %get3A_183] : memref<8x1024xf32, #tpu.memory_space<vmem>>[vector<16xi32>, vector<16xi32>], vector<16xf32>,
        %sub3A_267 = arith.subf %gather3A_266, %broadcast_in_dim3A_131 : vector<16xf32>
        %mul3A_268 = arith.mulf %get3A_199, %sub3A_267 : vector<16xf32>
        %gather3A_269 = tpu.vector_load_idx %arg14[%broadcast_in_dim3A_259, %get3A_187] : memref<8x1024xf32, #tpu.memory_space<vmem>>[vector<16xi32>, vector<16xi32>], vector<16xf32>,
        %sub3A_270 = arith.subf %gather3A_269, %broadcast_in_dim3A_131 : vector<16xf32>
        %mul3A_271 = arith.mulf %get3A_203, %sub3A_270 : vector<16xf32>
        %max3A_272 = arith.maximumf %mul3A_262, %mul3A_265 : vector<16xf32>
        %max3A_273 = arith.maximumf %mul3A_268, %mul3A_271 : vector<16xf32>
        %max3A_274 = arith.maximumf %max3A_272, %max3A_273 : vector<16xf32>
        %add3A_275 = arith.addf %scan3A_170, %max3A_274 : vector<16xf32>
        %broadcast_in_dim3A_276 = arith.constant 4 : i32
        %broadcast_in_dim3A_277 = vector.broadcast %broadcast_in_dim3A_276 : i32 to vector<16xi32>
        %gather3A_278 = tpu.vector_load_idx %arg14[%broadcast_in_dim3A_277, %get3A_175] : memref<8x1024xf32, #tpu.memory_space<vmem>>[vector<16xi32>, vector<16xi32>], vector<16xf32>,
        %sub3A_279 = arith.subf %gather3A_278, %broadcast_in_dim3A_131 : vector<16xf32>
        %mul3A_280 = arith.mulf %get3A_191, %sub3A_279 : vector<16xf32>
        %gather3A_281 = tpu.vector_load_idx %arg14[%broadcast_in_dim3A_277, %get3A_179] : memref<8x1024xf32, #tpu.memory_space<vmem>>[vector<16xi32>, vector<16xi32>], vector<16xf32>,
        %sub3A_282 = arith.subf %gather3A_281, %broadcast_in_dim3A_131 : vector<16xf32>
        %mul3A_283 = arith.mulf %get3A_195, %sub3A_282 : vector<16xf32>
        %gather3A_284 = tpu.vector_load_idx %arg14[%broadcast_in_dim3A_277, %get3A_183] : memref<8x1024xf32, #tpu.memory_space<vmem>>[vector<16xi32>, vector<16xi32>], vector<16xf32>,
        %sub3A_285 = arith.subf %gather3A_284, %broadcast_in_dim3A_131 : vector<16xf32>
        %mul3A_286 = arith.mulf %get3A_199, %sub3A_285 : vector<16xf32>
        %gather3A_287 = tpu.vector_load_idx %arg14[%broadcast_in_dim3A_277, %get3A_187] : memref<8x1024xf32, #tpu.memory_space<vmem>>[vector<16xi32>, vector<16xi32>], vector<16xf32>,
        %sub3A_288 = arith.subf %gather3A_287, %broadcast_in_dim3A_131 : vector<16xf32>
        %mul3A_289 = arith.mulf %get3A_203, %sub3A_288 : vector<16xf32>
        %max3A_290 = arith.maximumf %mul3A_280, %mul3A_283 : vector<16xf32>
        %max3A_291 = arith.maximumf %mul3A_286, %mul3A_289 : vector<16xf32>
        %max3A_292 = arith.maximumf %max3A_290, %max3A_291 : vector<16xf32>
        %add3A_293 = arith.addf %add3A_221, %max3A_292 : vector<16xf32>
        %broadcast_in_dim3A_294 = arith.constant 5 : i32
        %broadcast_in_dim3A_295 = vector.broadcast %broadcast_in_dim3A_294 : i32 to vector<16xi32>
        %gather3A_296 = tpu.vector_load_idx %arg14[%broadcast_in_dim3A_295, %get3A_175] : memref<8x1024xf32, #tpu.memory_space<vmem>>[vector<16xi32>, vector<16xi32>], vector<16xf32>,
        %sub3A_297 = arith.subf %gather3A_296, %broadcast_in_dim3A_131 : vector<16xf32>
        %mul3A_298 = arith.mulf %get3A_191, %sub3A_297 : vector<16xf32>
        %gather3A_299 = tpu.vector_load_idx %arg14[%broadcast_in_dim3A_295, %get3A_179] : memref<8x1024xf32, #tpu.memory_space<vmem>>[vector<16xi32>, vector<16xi32>], vector<16xf32>,
        %sub3A_300 = arith.subf %gather3A_299, %broadcast_in_dim3A_131 : vector<16xf32>
        %mul3A_301 = arith.mulf %get3A_195, %sub3A_300 : vector<16xf32>
        %gather3A_302 = tpu.vector_load_idx %arg14[%broadcast_in_dim3A_295, %get3A_183] : memref<8x1024xf32, #tpu.memory_space<vmem>>[vector<16xi32>, vector<16xi32>], vector<16xf32>,
        %sub3A_303 = arith.subf %gather3A_302, %broadcast_in_dim3A_131 : vector<16xf32>
        %mul3A_304 = arith.mulf %get3A_199, %sub3A_303 : vector<16xf32>
        %gather3A_305 = tpu.vector_load_idx %arg14[%broadcast_in_dim3A_295, %get3A_187] : memref<8x1024xf32, #tpu.memory_space<vmem>>[vector<16xi32>, vector<16xi32>], vector<16xf32>,
        %sub3A_306 = arith.subf %gather3A_305, %broadcast_in_dim3A_131 : vector<16xf32>
        %mul3A_307 = arith.mulf %get3A_203, %sub3A_306 : vector<16xf32>
        %max3A_308 = arith.maximumf %mul3A_298, %mul3A_301 : vector<16xf32>
        %max3A_309 = arith.maximumf %mul3A_304, %mul3A_307 : vector<16xf32>
        %max3A_310 = arith.maximumf %max3A_308, %max3A_309 : vector<16xf32>
        %add3A_311 = arith.addf %add3A_239, %max3A_310 : vector<16xf32>
        %broadcast_in_dim3A_312 = arith.constant 6 : i32
        %broadcast_in_dim3A_313 = vector.broadcast %broadcast_in_dim3A_312 : i32 to vector<16xi32>
        %gather3A_314 = tpu.vector_load_idx %arg14[%broadcast_in_dim3A_313, %get3A_175] : memref<8x1024xf32, #tpu.memory_space<vmem>>[vector<16xi32>, vector<16xi32>], vector<16xf32>,
        %sub3A_315 = arith.subf %gather3A_314, %broadcast_in_dim3A_131 : vector<16xf32>
        %mul3A_316 = arith.mulf %get3A_191, %sub3A_315 : vector<16xf32>
        %gather3A_317 = tpu.vector_load_idx %arg14[%broadcast_in_dim3A_313, %get3A_179] : memref<8x1024xf32, #tpu.memory_space<vmem>>[vector<16xi32>, vector<16xi32>], vector<16xf32>,
        %sub3A_318 = arith.subf %gather3A_317, %broadcast_in_dim3A_131 : vector<16xf32>
        %mul3A_319 = arith.mulf %get3A_195, %sub3A_318 : vector<16xf32>
        %gather3A_320 = tpu.vector_load_idx %arg14[%broadcast_in_dim3A_313, %get3A_183] : memref<8x1024xf32, #tpu.memory_space<vmem>>[vector<16xi32>, vector<16xi32>], vector<16xf32>,
        %sub3A_321 = arith.subf %gather3A_320, %broadcast_in_dim3A_131 : vector<16xf32>
        %mul3A_322 = arith.mulf %get3A_199, %sub3A_321 : vector<16xf32>
        %gather3A_323 = tpu.vector_load_idx %arg14[%broadcast_in_dim3A_313, %get3A_187] : memref<8x1024xf32, #tpu.memory_space<vmem>>[vector<16xi32>, vector<16xi32>], vector<16xf32>,
        %sub3A_324 = arith.subf %gather3A_323, %broadcast_in_dim3A_131 : vector<16xf32>
        %mul3A_325 = arith.mulf %get3A_203, %sub3A_324 : vector<16xf32>
        %max3A_326 = arith.maximumf %mul3A_316, %mul3A_319 : vector<16xf32>
        %max3A_327 = arith.maximumf %mul3A_322, %mul3A_325 : vector<16xf32>
        %max3A_328 = arith.maximumf %max3A_326, %max3A_327 : vector<16xf32>
        %add3A_329 = arith.addf %add3A_257, %max3A_328 : vector<16xf32>
        %broadcast_in_dim3A_330 = arith.constant 7 : i32
        %broadcast_in_dim3A_331 = vector.broadcast %broadcast_in_dim3A_330 : i32 to vector<16xi32>
        %gather3A_332 = tpu.vector_load_idx %arg14[%broadcast_in_dim3A_331, %get3A_175] : memref<8x1024xf32, #tpu.memory_space<vmem>>[vector<16xi32>, vector<16xi32>], vector<16xf32>,
        %sub3A_333 = arith.subf %gather3A_332, %broadcast_in_dim3A_131 : vector<16xf32>
        %mul3A_334 = arith.mulf %get3A_191, %sub3A_333 : vector<16xf32>
        %gather3A_335 = tpu.vector_load_idx %arg14[%broadcast_in_dim3A_331, %get3A_179] : memref<8x1024xf32, #tpu.memory_space<vmem>>[vector<16xi32>, vector<16xi32>], vector<16xf32>,
        %sub3A_336 = arith.subf %gather3A_335, %broadcast_in_dim3A_131 : vector<16xf32>
        %mul3A_337 = arith.mulf %get3A_195, %sub3A_336 : vector<16xf32>
        %gather3A_338 = tpu.vector_load_idx %arg14[%broadcast_in_dim3A_331, %get3A_183] : memref<8x1024xf32, #tpu.memory_space<vmem>>[vector<16xi32>, vector<16xi32>], vector<16xf32>,
        %sub3A_339 = arith.subf %gather3A_338, %broadcast_in_dim3A_131 : vector<16xf32>
        %mul3A_340 = arith.mulf %get3A_199, %sub3A_339 : vector<16xf32>
        %gather3A_341 = tpu.vector_load_idx %arg14[%broadcast_in_dim3A_331, %get3A_187] : memref<8x1024xf32, #tpu.memory_space<vmem>>[vector<16xi32>, vector<16xi32>], vector<16xf32>,
        %sub3A_342 = arith.subf %gather3A_341, %broadcast_in_dim3A_131 : vector<16xf32>
        %mul3A_343 = arith.mulf %get3A_203, %sub3A_342 : vector<16xf32>
        %max3A_344 = arith.maximumf %mul3A_334, %mul3A_337 : vector<16xf32>
        %max3A_345 = arith.maximumf %mul3A_340, %mul3A_343 : vector<16xf32>
        %max3A_346 = arith.maximumf %max3A_344, %max3A_345 : vector<16xf32>
        %add3A_347 = arith.addf %add3A_275, %max3A_346 : vector<16xf32>
        scf.yield %add3A_293, %add3A_311, %add3A_329, %add3A_347 : vector<16xf32>, vector<16xf32>, vector<16xf32>, vector<16xf32>
      }
      %scan3A_137 = arith.constant 32 : i32
      %mul3A_138 = arith.constant 8 : i32
      %mul3A_139 = arith.muli %min3A_117, %mul3A_138 : i32
      %add3A_140 = arith.addi %mul3A_2, %mul3A_139 : i32
      %dma_start3A_141 = arith.constant 0 : i32
      %dma_start3A_142 = tpu.memref_slice %arg2[%add3A_140, %dma_start3A_141] : memref<4096x1024xf32, #tpu.memory_space<hbm>> -> memref<8x1024xf32, #tpu.memory_space<hbm>>
      %dma_start3A_143 = arith.constant 0 : i32
      %dma_start3A_144 = tpu.memref_slice %arg2[%add3A_140, %dma_start3A_143] : memref<4096x1024xf32, #tpu.memory_space<hbm>> -> memref<8x1024xf32, #tpu.memory_space<hbm>>
      tpu.enqueue_dma source(%dma_start3A_144 : memref<8x1024xf32, #tpu.memory_space<hbm>>) target(%arg14 : memref<8x1024xf32, #tpu.memory_space<vmem>>) target_semaphore(%arg16 : memref<!tpu.dma_semaphore, #tpu.memory_space<semaphore_mem>>)
      %dma_wait3A_145 = arith.constant 0 : i32
      %dma_wait3A_146 = arith.constant 0 : i32
      %dma_wait3A_147 = tpu.memref_slice %arg2[%dma_wait3A_145, %dma_wait3A_146] : memref<4096x1024xf32, #tpu.memory_space<hbm>> -> memref<8x1024xf32, #tpu.memory_space<hbm>>
      %dma_wait3A_148 = arith.constant 0 : i32
      %dma_wait3A_149 = arith.constant 0 : i32
      %dma_wait3A_150 = tpu.memref_slice %arg2[%dma_wait3A_148, %dma_wait3A_149] : memref<4096x1024xf32, #tpu.memory_space<hbm>> -> memref<8x1024xf32, #tpu.memory_space<hbm>>
      tpu.wait_dma2 semaphore(%arg17 : memref<!tpu.dma_semaphore, #tpu.memory_space<semaphore_mem>>) src(%dma_wait3A_150 : memref<8x1024xf32, #tpu.memory_space<hbm>>) dst(%arg15 : memref<8x1024xf32, #tpu.memory_space<vmem>>)
      %broadcast_in_dim3A_151 = arith.constant 5.000000e-01 : f32
      %broadcast_in_dim3A_152 = vector.broadcast %broadcast_in_dim3A_151 : f32 to vector<16xf32>
      %scan3A_153 = arith.constant 0 : i32
      %scan3A_154 = arith.constant 32 : i32
      %scan3A_155 = arith.addi %scan3A_153, %scan3A_154 : i32
      %scan3A_156 = arith.constant 1 : i32
      %scan3A_157:4 = scf.for %scan3A_166 = %scan3A_153 to %scan3A_155 step %scan3A_156 iter_args(%scan3A_167 = %scan3A_136#0, %scan3A_168 = %scan3A_136#1, %scan3A_169 = %scan3A_136#2, %scan3A_170 = %scan3A_136#3) -> (vector<16xf32>, vector<16xf32>, vector<16xf32>, vector<16xf32>)  : i32 {
        %mul3A_171 = arith.constant 16 : i32
        %mul3A_172 = arith.muli %scan3A_166, %mul3A_171 : i32
        %add3A_173 = arith.constant 0 : i32
        %add3A_174 = arith.addi %add3A_173, %mul3A_172 : i32
        %get3A = arith.index_cast %add3A_174 : i32 to index
        %get3A_175 = tpu.vector_load %arg12[%get3A] {strides = array<i32>} : memref<2048xi32, #tpu.memory_space<vmem>>, vector<16xi32>,
        %add3A_176 = arith.constant 512 : i32
        %add3A_177 = arith.addi %add3A_176, %mul3A_172 : i32
        %get3A_178 = arith.index_cast %add3A_177 : i32 to index
        %get3A_179 = tpu.vector_load %arg12[%get3A_178] {strides = array<i32>} : memref<2048xi32, #tpu.memory_space<vmem>>, vector<16xi32>,
        %add3A_180 = arith.constant 1024 : i32
        %add3A_181 = arith.addi %add3A_180, %mul3A_172 : i32
        %get3A_182 = arith.index_cast %add3A_181 : i32 to index
        %get3A_183 = tpu.vector_load %arg12[%get3A_182] {strides = array<i32>} : memref<2048xi32, #tpu.memory_space<vmem>>, vector<16xi32>,
        %add3A_184 = arith.constant 1536 : i32
        %add3A_185 = arith.addi %add3A_184, %mul3A_172 : i32
        %get3A_186 = arith.index_cast %add3A_185 : i32 to index
        %get3A_187 = tpu.vector_load %arg12[%get3A_186] {strides = array<i32>} : memref<2048xi32, #tpu.memory_space<vmem>>, vector<16xi32>,
        %add3A_188 = arith.constant 0 : i32
        %add3A_189 = arith.addi %add3A_188, %mul3A_172 : i32
        %get3A_190 = arith.index_cast %add3A_189 : i32 to index
        %get3A_191 = tpu.vector_load %arg13[%get3A_190] {strides = array<i32>} : memref<2048xf32, #tpu.memory_space<vmem>>, vector<16xf32>,
        %add3A_192 = arith.constant 512 : i32
        %add3A_193 = arith.addi %add3A_192, %mul3A_172 : i32
        %get3A_194 = arith.index_cast %add3A_193 : i32 to index
        %get3A_195 = tpu.vector_load %arg13[%get3A_194] {strides = array<i32>} : memref<2048xf32, #tpu.memory_space<vmem>>, vector<16xf32>,
        %add3A_196 = arith.constant 1024 : i32
        %add3A_197 = arith.addi %add3A_196, %mul3A_172 : i32
        %get3A_198 = arith.index_cast %add3A_197 : i32 to index
        %get3A_199 = tpu.vector_load %arg13[%get3A_198] {strides = array<i32>} : memref<2048xf32, #tpu.memory_space<vmem>>, vector<16xf32>,
        %add3A_200 = arith.constant 1536 : i32
        %add3A_201 = arith.addi %add3A_200, %mul3A_172 : i32
        %get3A_202 = arith.index_cast %add3A_201 : i32 to index
        %get3A_203 = tpu.vector_load %arg13[%get3A_202] {strides = array<i32>} : memref<2048xf32, #tpu.memory_space<vmem>>, vector<16xf32>,
        %broadcast_in_dim3A_204 = arith.constant 0 : i32
        %broadcast_in_dim3A_205 = vector.broadcast %broadcast_in_dim3A_204 : i32 to vector<16xi32>
        %gather3A_206 = tpu.vector_load_idx %arg15[%broadcast_in_dim3A_205, %get3A_175] : memref<8x1024xf32, #tpu.memory_space<vmem>>[vector<16xi32>, vector<16xi32>], vector<16xf32>,
        %sub3A_207 = arith.subf %gather3A_206, %broadcast_in_dim3A_152 : vector<16xf32>
        %mul3A_208 = arith.mulf %get3A_191, %sub3A_207 : vector<16xf32>
        %gather3A_209 = tpu.vector_load_idx %arg15[%broadcast_in_dim3A_205, %get3A_179] : memref<8x1024xf32, #tpu.memory_space<vmem>>[vector<16xi32>, vector<16xi32>], vector<16xf32>,
        %sub3A_210 = arith.subf %gather3A_209, %broadcast_in_dim3A_152 : vector<16xf32>
        %mul3A_211 = arith.mulf %get3A_195, %sub3A_210 : vector<16xf32>
        %gather3A_212 = tpu.vector_load_idx %arg15[%broadcast_in_dim3A_205, %get3A_183] : memref<8x1024xf32, #tpu.memory_space<vmem>>[vector<16xi32>, vector<16xi32>], vector<16xf32>,
        %sub3A_213 = arith.subf %gather3A_212, %broadcast_in_dim3A_152 : vector<16xf32>
        %mul3A_214 = arith.mulf %get3A_199, %sub3A_213 : vector<16xf32>
        %gather3A_215 = tpu.vector_load_idx %arg15[%broadcast_in_dim3A_205, %get3A_187] : memref<8x1024xf32, #tpu.memory_space<vmem>>[vector<16xi32>, vector<16xi32>], vector<16xf32>,
        %sub3A_216 = arith.subf %gather3A_215, %broadcast_in_dim3A_152 : vector<16xf32>
        %mul3A_217 = arith.mulf %get3A_203, %sub3A_216 : vector<16xf32>
        %max3A_218 = arith.maximumf %mul3A_208, %mul3A_211 : vector<16xf32>
        %max3A_219 = arith.maximumf %mul3A_214, %mul3A_217 : vector<16xf32>
        %max3A_220 = arith.maximumf %max3A_218, %max3A_219 : vector<16xf32>
        %add3A_221 = arith.addf %scan3A_167, %max3A_220 : vector<16xf32>
        %broadcast_in_dim3A_222 = arith.constant 1 : i32
        %broadcast_in_dim3A_223 = vector.broadcast %broadcast_in_dim3A_222 : i32 to vector<16xi32>
        %gather3A_224 = tpu.vector_load_idx %arg15[%broadcast_in_dim3A_223, %get3A_175] : memref<8x1024xf32, #tpu.memory_space<vmem>>[vector<16xi32>, vector<16xi32>], vector<16xf32>,
        %sub3A_225 = arith.subf %gather3A_224, %broadcast_in_dim3A_152 : vector<16xf32>
        %mul3A_226 = arith.mulf %get3A_191, %sub3A_225 : vector<16xf32>
        %gather3A_227 = tpu.vector_load_idx %arg15[%broadcast_in_dim3A_223, %get3A_179] : memref<8x1024xf32, #tpu.memory_space<vmem>>[vector<16xi32>, vector<16xi32>], vector<16xf32>,
        %sub3A_228 = arith.subf %gather3A_227, %broadcast_in_dim3A_152 : vector<16xf32>
        %mul3A_229 = arith.mulf %get3A_195, %sub3A_228 : vector<16xf32>
        %gather3A_230 = tpu.vector_load_idx %arg15[%broadcast_in_dim3A_223, %get3A_183] : memref<8x1024xf32, #tpu.memory_space<vmem>>[vector<16xi32>, vector<16xi32>], vector<16xf32>,
        %sub3A_231 = arith.subf %gather3A_230, %broadcast_in_dim3A_152 : vector<16xf32>
        %mul3A_232 = arith.mulf %get3A_199, %sub3A_231 : vector<16xf32>
        %gather3A_233 = tpu.vector_load_idx %arg15[%broadcast_in_dim3A_223, %get3A_187] : memref<8x1024xf32, #tpu.memory_space<vmem>>[vector<16xi32>, vector<16xi32>], vector<16xf32>,
        %sub3A_234 = arith.subf %gather3A_233, %broadcast_in_dim3A_152 : vector<16xf32>
        %mul3A_235 = arith.mulf %get3A_203, %sub3A_234 : vector<16xf32>
        %max3A_236 = arith.maximumf %mul3A_226, %mul3A_229 : vector<16xf32>
        %max3A_237 = arith.maximumf %mul3A_232, %mul3A_235 : vector<16xf32>
        %max3A_238 = arith.maximumf %max3A_236, %max3A_237 : vector<16xf32>
        %add3A_239 = arith.addf %scan3A_168, %max3A_238 : vector<16xf32>
        %broadcast_in_dim3A_240 = arith.constant 2 : i32
        %broadcast_in_dim3A_241 = vector.broadcast %broadcast_in_dim3A_240 : i32 to vector<16xi32>
        %gather3A_242 = tpu.vector_load_idx %arg15[%broadcast_in_dim3A_241, %get3A_175] : memref<8x1024xf32, #tpu.memory_space<vmem>>[vector<16xi32>, vector<16xi32>], vector<16xf32>,
        %sub3A_243 = arith.subf %gather3A_242, %broadcast_in_dim3A_152 : vector<16xf32>
        %mul3A_244 = arith.mulf %get3A_191, %sub3A_243 : vector<16xf32>
        %gather3A_245 = tpu.vector_load_idx %arg15[%broadcast_in_dim3A_241, %get3A_179] : memref<8x1024xf32, #tpu.memory_space<vmem>>[vector<16xi32>, vector<16xi32>], vector<16xf32>,
        %sub3A_246 = arith.subf %gather3A_245, %broadcast_in_dim3A_152 : vector<16xf32>
        %mul3A_247 = arith.mulf %get3A_195, %sub3A_246 : vector<16xf32>
        %gather3A_248 = tpu.vector_load_idx %arg15[%broadcast_in_dim3A_241, %get3A_183] : memref<8x1024xf32, #tpu.memory_space<vmem>>[vector<16xi32>, vector<16xi32>], vector<16xf32>,
        %sub3A_249 = arith.subf %gather3A_248, %broadcast_in_dim3A_152 : vector<16xf32>
        %mul3A_250 = arith.mulf %get3A_199, %sub3A_249 : vector<16xf32>
        %gather3A_251 = tpu.vector_load_idx %arg15[%broadcast_in_dim3A_241, %get3A_187] : memref<8x1024xf32, #tpu.memory_space<vmem>>[vector<16xi32>, vector<16xi32>], vector<16xf32>,
        %sub3A_252 = arith.subf %gather3A_251, %broadcast_in_dim3A_152 : vector<16xf32>
        %mul3A_253 = arith.mulf %get3A_203, %sub3A_252 : vector<16xf32>
        %max3A_254 = arith.maximumf %mul3A_244, %mul3A_247 : vector<16xf32>
        %max3A_255 = arith.maximumf %mul3A_250, %mul3A_253 : vector<16xf32>
        %max3A_256 = arith.maximumf %max3A_254, %max3A_255 : vector<16xf32>
        %add3A_257 = arith.addf %scan3A_169, %max3A_256 : vector<16xf32>
        %broadcast_in_dim3A_258 = arith.constant 3 : i32
        %broadcast_in_dim3A_259 = vector.broadcast %broadcast_in_dim3A_258 : i32 to vector<16xi32>
        %gather3A_260 = tpu.vector_load_idx %arg15[%broadcast_in_dim3A_259, %get3A_175] : memref<8x1024xf32, #tpu.memory_space<vmem>>[vector<16xi32>, vector<16xi32>], vector<16xf32>,
        %sub3A_261 = arith.subf %gather3A_260, %broadcast_in_dim3A_152 : vector<16xf32>
        %mul3A_262 = arith.mulf %get3A_191, %sub3A_261 : vector<16xf32>
        %gather3A_263 = tpu.vector_load_idx %arg15[%broadcast_in_dim3A_259, %get3A_179] : memref<8x1024xf32, #tpu.memory_space<vmem>>[vector<16xi32>, vector<16xi32>], vector<16xf32>,
        %sub3A_264 = arith.subf %gather3A_263, %broadcast_in_dim3A_152 : vector<16xf32>
        %mul3A_265 = arith.mulf %get3A_195, %sub3A_264 : vector<16xf32>
        %gather3A_266 = tpu.vector_load_idx %arg15[%broadcast_in_dim3A_259, %get3A_183] : memref<8x1024xf32, #tpu.memory_space<vmem>>[vector<16xi32>, vector<16xi32>], vector<16xf32>,
        %sub3A_267 = arith.subf %gather3A_266, %broadcast_in_dim3A_152 : vector<16xf32>
        %mul3A_268 = arith.mulf %get3A_199, %sub3A_267 : vector<16xf32>
        %gather3A_269 = tpu.vector_load_idx %arg15[%broadcast_in_dim3A_259, %get3A_187] : memref<8x1024xf32, #tpu.memory_space<vmem>>[vector<16xi32>, vector<16xi32>], vector<16xf32>,
        %sub3A_270 = arith.subf %gather3A_269, %broadcast_in_dim3A_152 : vector<16xf32>
        %mul3A_271 = arith.mulf %get3A_203, %sub3A_270 : vector<16xf32>
        %max3A_272 = arith.maximumf %mul3A_262, %mul3A_265 : vector<16xf32>
        %max3A_273 = arith.maximumf %mul3A_268, %mul3A_271 : vector<16xf32>
        %max3A_274 = arith.maximumf %max3A_272, %max3A_273 : vector<16xf32>
        %add3A_275 = arith.addf %scan3A_170, %max3A_274 : vector<16xf32>
        %broadcast_in_dim3A_276 = arith.constant 4 : i32
        %broadcast_in_dim3A_277 = vector.broadcast %broadcast_in_dim3A_276 : i32 to vector<16xi32>
        %gather3A_278 = tpu.vector_load_idx %arg15[%broadcast_in_dim3A_277, %get3A_175] : memref<8x1024xf32, #tpu.memory_space<vmem>>[vector<16xi32>, vector<16xi32>], vector<16xf32>,
        %sub3A_279 = arith.subf %gather3A_278, %broadcast_in_dim3A_152 : vector<16xf32>
        %mul3A_280 = arith.mulf %get3A_191, %sub3A_279 : vector<16xf32>
        %gather3A_281 = tpu.vector_load_idx %arg15[%broadcast_in_dim3A_277, %get3A_179] : memref<8x1024xf32, #tpu.memory_space<vmem>>[vector<16xi32>, vector<16xi32>], vector<16xf32>,
        %sub3A_282 = arith.subf %gather3A_281, %broadcast_in_dim3A_152 : vector<16xf32>
        %mul3A_283 = arith.mulf %get3A_195, %sub3A_282 : vector<16xf32>
        %gather3A_284 = tpu.vector_load_idx %arg15[%broadcast_in_dim3A_277, %get3A_183] : memref<8x1024xf32, #tpu.memory_space<vmem>>[vector<16xi32>, vector<16xi32>], vector<16xf32>,
        %sub3A_285 = arith.subf %gather3A_284, %broadcast_in_dim3A_152 : vector<16xf32>
        %mul3A_286 = arith.mulf %get3A_199, %sub3A_285 : vector<16xf32>
        %gather3A_287 = tpu.vector_load_idx %arg15[%broadcast_in_dim3A_277, %get3A_187] : memref<8x1024xf32, #tpu.memory_space<vmem>>[vector<16xi32>, vector<16xi32>], vector<16xf32>,
        %sub3A_288 = arith.subf %gather3A_287, %broadcast_in_dim3A_152 : vector<16xf32>
        %mul3A_289 = arith.mulf %get3A_203, %sub3A_288 : vector<16xf32>
        %max3A_290 = arith.maximumf %mul3A_280, %mul3A_283 : vector<16xf32>
        %max3A_291 = arith.maximumf %mul3A_286, %mul3A_289 : vector<16xf32>
        %max3A_292 = arith.maximumf %max3A_290, %max3A_291 : vector<16xf32>
        %add3A_293 = arith.addf %add3A_221, %max3A_292 : vector<16xf32>
        %broadcast_in_dim3A_294 = arith.constant 5 : i32
        %broadcast_in_dim3A_295 = vector.broadcast %broadcast_in_dim3A_294 : i32 to vector<16xi32>
        %gather3A_296 = tpu.vector_load_idx %arg15[%broadcast_in_dim3A_295, %get3A_175] : memref<8x1024xf32, #tpu.memory_space<vmem>>[vector<16xi32>, vector<16xi32>], vector<16xf32>,
        %sub3A_297 = arith.subf %gather3A_296, %broadcast_in_dim3A_152 : vector<16xf32>
        %mul3A_298 = arith.mulf %get3A_191, %sub3A_297 : vector<16xf32>
        %gather3A_299 = tpu.vector_load_idx %arg15[%broadcast_in_dim3A_295, %get3A_179] : memref<8x1024xf32, #tpu.memory_space<vmem>>[vector<16xi32>, vector<16xi32>], vector<16xf32>,
        %sub3A_300 = arith.subf %gather3A_299, %broadcast_in_dim3A_152 : vector<16xf32>
        %mul3A_301 = arith.mulf %get3A_195, %sub3A_300 : vector<16xf32>
        %gather3A_302 = tpu.vector_load_idx %arg15[%broadcast_in_dim3A_295, %get3A_183] : memref<8x1024xf32, #tpu.memory_space<vmem>>[vector<16xi32>, vector<16xi32>], vector<16xf32>,
        %sub3A_303 = arith.subf %gather3A_302, %broadcast_in_dim3A_152 : vector<16xf32>
        %mul3A_304 = arith.mulf %get3A_199, %sub3A_303 : vector<16xf32>
        %gather3A_305 = tpu.vector_load_idx %arg15[%broadcast_in_dim3A_295, %get3A_187] : memref<8x1024xf32, #tpu.memory_space<vmem>>[vector<16xi32>, vector<16xi32>], vector<16xf32>,
        %sub3A_306 = arith.subf %gather3A_305, %broadcast_in_dim3A_152 : vector<16xf32>
        %mul3A_307 = arith.mulf %get3A_203, %sub3A_306 : vector<16xf32>
        %max3A_308 = arith.maximumf %mul3A_298, %mul3A_301 : vector<16xf32>
        %max3A_309 = arith.maximumf %mul3A_304, %mul3A_307 : vector<16xf32>
        %max3A_310 = arith.maximumf %max3A_308, %max3A_309 : vector<16xf32>
        %add3A_311 = arith.addf %add3A_239, %max3A_310 : vector<16xf32>
        %broadcast_in_dim3A_312 = arith.constant 6 : i32
        %broadcast_in_dim3A_313 = vector.broadcast %broadcast_in_dim3A_312 : i32 to vector<16xi32>
        %gather3A_314 = tpu.vector_load_idx %arg15[%broadcast_in_dim3A_313, %get3A_175] : memref<8x1024xf32, #tpu.memory_space<vmem>>[vector<16xi32>, vector<16xi32>], vector<16xf32>,
        %sub3A_315 = arith.subf %gather3A_314, %broadcast_in_dim3A_152 : vector<16xf32>
        %mul3A_316 = arith.mulf %get3A_191, %sub3A_315 : vector<16xf32>
        %gather3A_317 = tpu.vector_load_idx %arg15[%broadcast_in_dim3A_313, %get3A_179] : memref<8x1024xf32, #tpu.memory_space<vmem>>[vector<16xi32>, vector<16xi32>], vector<16xf32>,
        %sub3A_318 = arith.subf %gather3A_317, %broadcast_in_dim3A_152 : vector<16xf32>
        %mul3A_319 = arith.mulf %get3A_195, %sub3A_318 : vector<16xf32>
        %gather3A_320 = tpu.vector_load_idx %arg15[%broadcast_in_dim3A_313, %get3A_183] : memref<8x1024xf32, #tpu.memory_space<vmem>>[vector<16xi32>, vector<16xi32>], vector<16xf32>,
        %sub3A_321 = arith.subf %gather3A_320, %broadcast_in_dim3A_152 : vector<16xf32>
        %mul3A_322 = arith.mulf %get3A_199, %sub3A_321 : vector<16xf32>
        %gather3A_323 = tpu.vector_load_idx %arg15[%broadcast_in_dim3A_313, %get3A_187] : memref<8x1024xf32, #tpu.memory_space<vmem>>[vector<16xi32>, vector<16xi32>], vector<16xf32>,
        %sub3A_324 = arith.subf %gather3A_323, %broadcast_in_dim3A_152 : vector<16xf32>
        %mul3A_325 = arith.mulf %get3A_203, %sub3A_324 : vector<16xf32>
        %max3A_326 = arith.maximumf %mul3A_316, %mul3A_319 : vector<16xf32>
        %max3A_327 = arith.maximumf %mul3A_322, %mul3A_325 : vector<16xf32>
        %max3A_328 = arith.maximumf %max3A_326, %max3A_327 : vector<16xf32>
        %add3A_329 = arith.addf %add3A_257, %max3A_328 : vector<16xf32>
        %broadcast_in_dim3A_330 = arith.constant 7 : i32
        %broadcast_in_dim3A_331 = vector.broadcast %broadcast_in_dim3A_330 : i32 to vector<16xi32>
        %gather3A_332 = tpu.vector_load_idx %arg15[%broadcast_in_dim3A_331, %get3A_175] : memref<8x1024xf32, #tpu.memory_space<vmem>>[vector<16xi32>, vector<16xi32>], vector<16xf32>,
        %sub3A_333 = arith.subf %gather3A_332, %broadcast_in_dim3A_152 : vector<16xf32>
        %mul3A_334 = arith.mulf %get3A_191, %sub3A_333 : vector<16xf32>
        %gather3A_335 = tpu.vector_load_idx %arg15[%broadcast_in_dim3A_331, %get3A_179] : memref<8x1024xf32, #tpu.memory_space<vmem>>[vector<16xi32>, vector<16xi32>], vector<16xf32>,
        %sub3A_336 = arith.subf %gather3A_335, %broadcast_in_dim3A_152 : vector<16xf32>
        %mul3A_337 = arith.mulf %get3A_195, %sub3A_336 : vector<16xf32>
        %gather3A_338 = tpu.vector_load_idx %arg15[%broadcast_in_dim3A_331, %get3A_183] : memref<8x1024xf32, #tpu.memory_space<vmem>>[vector<16xi32>, vector<16xi32>], vector<16xf32>,
        %sub3A_339 = arith.subf %gather3A_338, %broadcast_in_dim3A_152 : vector<16xf32>
        %mul3A_340 = arith.mulf %get3A_199, %sub3A_339 : vector<16xf32>
        %gather3A_341 = tpu.vector_load_idx %arg15[%broadcast_in_dim3A_331, %get3A_187] : memref<8x1024xf32, #tpu.memory_space<vmem>>[vector<16xi32>, vector<16xi32>], vector<16xf32>,
        %sub3A_342 = arith.subf %gather3A_341, %broadcast_in_dim3A_152 : vector<16xf32>
        %mul3A_343 = arith.mulf %get3A_203, %sub3A_342 : vector<16xf32>
        %max3A_344 = arith.maximumf %mul3A_334, %mul3A_337 : vector<16xf32>
        %max3A_345 = arith.maximumf %mul3A_340, %mul3A_343 : vector<16xf32>
        %max3A_346 = arith.maximumf %max3A_344, %max3A_345 : vector<16xf32>
        %add3A_347 = arith.addf %add3A_275, %max3A_346 : vector<16xf32>
        scf.yield %add3A_293, %add3A_311, %add3A_329, %add3A_347 : vector<16xf32>, vector<16xf32>, vector<16xf32>, vector<16xf32>
      }
      %scan3A_158 = arith.constant 32 : i32
      %mul3A_159 = arith.constant 8 : i32
      %mul3A_160 = arith.muli %min3A_123, %mul3A_159 : i32
      %add3A_161 = arith.addi %mul3A_2, %mul3A_160 : i32
      %dma_start3A_162 = arith.constant 0 : i32
      %dma_start3A_163 = tpu.memref_slice %arg2[%add3A_161, %dma_start3A_162] : memref<4096x1024xf32, #tpu.memory_space<hbm>> -> memref<8x1024xf32, #tpu.memory_space<hbm>>
      %dma_start3A_164 = arith.constant 0 : i32
      %dma_start3A_165 = tpu.memref_slice %arg2[%add3A_161, %dma_start3A_164] : memref<4096x1024xf32, #tpu.memory_space<hbm>> -> memref<8x1024xf32, #tpu.memory_space<hbm>>
      tpu.enqueue_dma source(%dma_start3A_165 : memref<8x1024xf32, #tpu.memory_space<hbm>>) target(%arg15 : memref<8x1024xf32, #tpu.memory_space<vmem>>) target_semaphore(%arg17 : memref<!tpu.dma_semaphore, #tpu.memory_space<semaphore_mem>>)
      scf.yield %scan3A_157#0, %scan3A_157#1, %scan3A_157#2, %scan3A_157#3 : vector<16xf32>, vector<16xf32>, vector<16xf32>, vector<16xf32>
    }
    %scan3A_91 = arith.constant 8 : i32
    %dma_wait3A = arith.constant 0 : i32
    %dma_wait3A_92 = arith.constant 0 : i32
    %dma_wait3A_93 = tpu.memref_slice %arg2[%dma_wait3A, %dma_wait3A_92] : memref<4096x1024xf32, #tpu.memory_space<hbm>> -> memref<8x1024xf32, #tpu.memory_space<hbm>>
    %dma_wait3A_94 = arith.constant 0 : i32
    %dma_wait3A_95 = arith.constant 0 : i32
    %dma_wait3A_96 = tpu.memref_slice %arg2[%dma_wait3A_94, %dma_wait3A_95] : memref<4096x1024xf32, #tpu.memory_space<hbm>> -> memref<8x1024xf32, #tpu.memory_space<hbm>>
    tpu.wait_dma2 semaphore(%arg16 : memref<!tpu.dma_semaphore, #tpu.memory_space<semaphore_mem>>) src(%dma_wait3A_96 : memref<8x1024xf32, #tpu.memory_space<hbm>>) dst(%arg14 : memref<8x1024xf32, #tpu.memory_space<vmem>>)
    %dma_wait3A_97 = arith.constant 0 : i32
    %dma_wait3A_98 = arith.constant 0 : i32
    %dma_wait3A_99 = tpu.memref_slice %arg2[%dma_wait3A_97, %dma_wait3A_98] : memref<4096x1024xf32, #tpu.memory_space<hbm>> -> memref<8x1024xf32, #tpu.memory_space<hbm>>
    %dma_wait3A_100 = arith.constant 0 : i32
    %dma_wait3A_101 = arith.constant 0 : i32
    %dma_wait3A_102 = tpu.memref_slice %arg2[%dma_wait3A_100, %dma_wait3A_101] : memref<4096x1024xf32, #tpu.memory_space<hbm>> -> memref<8x1024xf32, #tpu.memory_space<hbm>>
    tpu.wait_dma2 semaphore(%arg17 : memref<!tpu.dma_semaphore, #tpu.memory_space<semaphore_mem>>) src(%dma_wait3A_102 : memref<8x1024xf32, #tpu.memory_space<hbm>>) dst(%arg15 : memref<8x1024xf32, #tpu.memory_space<vmem>>)
    %add3A_103 = arith.addf %scan3A_90#0, %scan3A_90#1 : vector<16xf32>
    %add3A_104 = arith.addf %add3A_103, %scan3A_90#2 : vector<16xf32>
    %add3A_105 = arith.addf %add3A_104, %scan3A_90#3 : vector<16xf32>
    %swap3A = arith.constant 0 : index
    %swap3A_106 = tpu.vector_load %arg19[%swap3A] {strides = array<i32>} : memref<16xf32, #tpu.memory_space<vmem>>, vector<16xf32>,
    tpu.vector_store %arg19[%swap3A], %add3A_105 {strides = array<i32>} : memref<16xf32, #tpu.memory_space<vmem>>, vector<16xf32>,
    "tpu.region"() ({
      %run_scoped3A = tpu.sem_alloc : memref<!tpu.dma_semaphore, #tpu.memory_space<semaphore_mem>>
      %dma_start3A_107 = arith.constant 0 : i32
      %dma_start3A_108 = tpu.memref_slice %arg7[%add3A, %dma_start3A_107] : memref<32x16xf32, #tpu.memory_space<hbm>> -> memref<1x16xf32, #tpu.memory_space<hbm>>
      %dma_start3A_109 = tpu.memref_squeeze %dma_start3A_108 : memref<1x16xf32, #tpu.memory_space<hbm>> -> memref<16xf32, #tpu.memory_space<hbm>>
      %dma_start3A_110 = arith.constant 0 : i32
      %dma_start3A_111 = tpu.memref_slice %arg7[%add3A, %dma_start3A_110] : memref<32x16xf32, #tpu.memory_space<hbm>> -> memref<1x16xf32, #tpu.memory_space<hbm>>
      %dma_start3A_112 = tpu.memref_squeeze %dma_start3A_111 : memref<1x16xf32, #tpu.memory_space<hbm>> -> memref<16xf32, #tpu.memory_space<hbm>>
      tpu.enqueue_dma source(%arg19 : memref<16xf32, #tpu.memory_space<vmem>>) target(%dma_start3A_112 : memref<16xf32, #tpu.memory_space<hbm>>) target_semaphore(%run_scoped3A : memref<!tpu.dma_semaphore, #tpu.memory_space<semaphore_mem>>)
      %dma_wait3A_113 = arith.constant 0 : i32
      %dma_wait3A_114 = tpu.memref_slice %arg7[%add3A, %dma_wait3A_113] : memref<32x16xf32, #tpu.memory_space<hbm>> -> memref<1x16xf32, #tpu.memory_space<hbm>>
      %dma_wait3A_115 = tpu.memref_squeeze %dma_wait3A_114 : memref<1x16xf32, #tpu.memory_space<hbm>> -> memref<16xf32, #tpu.memory_space<hbm>>
      %dma_wait3A_116 = arith.constant 0 : i32
      %dma_wait3A_117 = tpu.memref_slice %arg7[%add3A, %dma_wait3A_116] : memref<32x16xf32, #tpu.memory_space<hbm>> -> memref<1x16xf32, #tpu.memory_space<hbm>>
      %dma_wait3A_118 = tpu.memref_squeeze %dma_wait3A_117 : memref<1x16xf32, #tpu.memory_space<hbm>> -> memref<16xf32, #tpu.memory_space<hbm>>
      tpu.wait_dma2 semaphore(%run_scoped3A : memref<!tpu.dma_semaphore, #tpu.memory_space<semaphore_mem>>) src(%arg19 : memref<16xf32, #tpu.memory_space<vmem>>) dst(%dma_wait3A_118 : memref<16xf32, #tpu.memory_space<hbm>>)
      tpu.yield
    }) : () -> ()
    return
  }
}

</mosaic_0001>

<sc_bundles>
// kernel: kernel.3.cloned.1.call-start
scs
__scs_entry_jumppad:
0x0: {  	(pc) =	sbr.rel $0x88, $3  }
0x1: {  	(tag) =	ssettag $0x0;
	lr =	simm.s32 $0x1  }
0x2: {  	[smem:$0x3F9C] =	sst lr;
	_ =	strace $0xD0000000  }
0x3: {  	_ = 	snop  }
0x4: {  	_ = 	snop  }
0x5: {  	_ = 	snop  }
0x6: {  	_ = 	snop  }
0x7: {  	_ = 	snop  }
__scs_overlays_trampoline_lowered:
0x8: {  	[smem:$0x3FAB] =	sst s0  }
0x9: {  	[smem:$0x3FAC] =	sst s1  }
0xa: {  	[smem:$0x3FAD] =	sst s2  }
0xb: {  	[smem:$0x3FAE] =	sst s3  }
0xc: {  	[smem:$0x3FAF] =	sst s4  }
0xd: {  	[smem:$0x3FB0] =	sst s5  }
0xe: {  	[smem:$0x3FB1] =	sst s6  }
0xf: {  	[smem:$0x3FB2] =	sst s7  }
0x10: {  	[smem:$0x3FB3] =	sst s8  }
0x11: {  	[smem:$0x3FB4] =	sst s9;
	s0 =	simm.s32 @!p0 $0x0  }
0x12: {  	s1 =	sld [smem:$0x3F9A];
	s0 =	simm.s32 @p0 $0x1  }
0x13: {  	[smem:$0x3FB5] =	sst s0;
	s0 =	simm.s32 @!p1 $0x0  }
0x14: {  	s2 =	sld [smem:$0x3F99];
	s0 =	simm.s32 @p1 $0x1  }
0x15: {  	[smem:$0x3FB6] =	sst s0;
	s0 =	simm.s32 @!p2 $0x0  }
0x16: {  	s3 =	sld [smem:$0x3FDB];
	s0 =	simm.s32 @p2 $0x1  }
0x17: {  	s4 =	simm.s32 $0x1BF5;
	[smem:$0x3FB8] =	sst s0  }
0x18: {  	s0 =	sld [smem:$0x3F9B];
	_ =	swait.ge [sflag:s4], $0x0  }
0x19: {  	s7 =	sld [smem:$0x3F9C]  }
0x1a: {  	s8 =	sadd.s32 $0xFFFFE003, lr  }
0x1b: {  	s9 =	sadd.s32 $0xFFFFFEF7, lr;
	s5 =	simm.s32 $0xFFFFFFFF;
	p2 =	slt.u32 s8, $0xFFFFF086  }
0x1c: {  	p1 =	slt.u32 s9, $0xF7A;
	s5 =	simm.s32 @!p2 $0x0  }
0x1d: {  	s5 =	simm.s32 @p1 $0x1;
	p0 =	seq.s32 s7, s2  }
0x1e: {  	s7 =	smul.u32 @!p0 $0xF7A, s2;
	p2 =	seq.s32 @!p0 s5, $0x0  }
0x1f: {  	s9 =	smul.u32 $0xF7A, s1;
	s8 =	simm.s32 @!p0 $0x1BF5;
	p2 =	por !p2, p0  }
0x20: {  	[sflag:s8] =	ssyncset.s32 @!p0 $0xFFFFF086;
	s6 =	sadd.s32 @!p0 s3, s7;
	s7 =	simm.s32 @!p0 $0x108  }
0x21: {  	s3 =	sadd.s32 s3, s9;
	s6 =	sadd.s32 @!p0 $0x88, s6;
	s7 =	simm.s32 @p2 $0x1082  }
0x22: {  	[simem:s7], [sflag:s8] =	dma.local @!p0 [hbm:s6], $0xF7A  }
0x23: {  	s9 =	sor.u32 $0xD0000000, s2;
	s6 =	simm.s32 $0x108;
	_ =	swait.ge @!p0 [sflag:s8], $0x0  }
0x24: {  	s3 =	sadd.s32 $0x88, s3;
	s6 =	simm.s32 @!p1 $0x1082;
	[sflag:s4] =	ssyncset.s32 $0xFFFFF086  }
0x25: {  	[simem:s6], [sflag:s4] =	dma.local [hbm:s3], $0xF7A  }
0x26: {  	[smem:$0x3F9C] =	sst s1;
	(tag) =	ssettag s2;
	_ =	strace s9  }
0x27: {  	s1 =	sld [smem:$0x3FAC]  }
0x28: {  	s2 =	sld [smem:$0x3FAD]  }
0x29: {  	s4 =	sld [smem:$0x3FAF]  }
0x2a: {  	p0 =	seq.s32 s5, $0x0;
	s5 =	sld [smem:$0x3FB0]  }
0x2b: {  	s6 =	sld [smem:$0x3FB1]  }
0x2c: {  	s7 =	sld [smem:$0x3FB2]  }
0x2d: {  	s3 =	simm.s32 $0x108;
	s8 =	sld [smem:$0x3FB3]  }
0x2e: {  	s3 =	simm.s32 @!p0 $0x1082;
	s9 =	sld [smem:$0x3FB4]  }
0x2f: {  	lr =	sadd.s32 s0, s3;
	s0 =	sld [smem:$0x3FAB]  }
0x30: {  	s3 =	sld [smem:$0x3FAE]  }
0x31: {  	[smem:$0x3FB7] =	sst s10  }
0x32: {  	s10 =	sld [smem:$0x3FB5];
	_ =	sdelay $0x3  }
0x33: {  	p0 =	seq.s32 s10, $0x1;
	s10 =	sld [smem:$0x3FB7];
	_ =	sdelay $0x3  }
0x34: {  	[smem:$0x3FB7] =	sst s10  }
0x35: {  	s10 =	sld [smem:$0x3FB6];
	_ =	sdelay $0x3  }
0x36: {  	p1 =	seq.s32 s10, $0x1;
	s10 =	sld [smem:$0x3FB7];
	_ =	sdelay $0x3  }
0x37: {  	[smem:$0x3FB7] =	sst s10  }
0x38: {  	s10 =	sld [smem:$0x3FB8]  }
0x39: {  	_ = 	snop;
	(pc) =	sbr.ind lr, $3  }
0x3a: {  	_ = 	snop  }
0x3b: {  	_ = 	snop  }
0x3c: {  	p2 =	seq.s32 s10, $0x1;
	s10 =	sld [smem:$0x3FB7]  }
0x3d: {  	_ =	shalt  }
0x3e: {  	_ =	shalt  }
0x3f: {  	_ =	shalt  }
0x40: {  	_ =	shalt  }
0x41: {  	_ =	shalt  }
0x42: {  	_ =	shalt  }
0x43: {  	_ =	shalt  }
0x44: {  	_ =	shalt  }
0x45: {  	_ =	shalt  }
0x46: {  	_ =	shalt  }
0x47: {  	_ =	shalt  }
0x48: {  	_ =	shalt  }
0x49: {  	_ =	shalt  }
0x4a: {  	_ =	shalt  }
0x4b: {  	_ =	shalt  }
0x4c: {  	_ =	shalt  }
0x4d: {  	_ =	shalt  }
0x4e: {  	_ =	shalt  }
0x4f: {  	_ =	shalt  }
0x50: {  	_ =	shalt  }
0x51: {  	_ =	shalt  }
0x52: {  	_ =	shalt  }
0x53: {  	_ =	shalt  }
0x54: {  	_ =	shalt  }
0x55: {  	_ =	shalt  }
0x56: {  	_ =	shalt  }
0x57: {  	_ =	shalt  }
0x58: {  	_ =	shalt  }
0x59: {  	_ =	shalt  }
0x5a: {  	_ =	shalt  }
0x5b: {  	_ =	shalt  }
0x5c: {  	_ =	shalt  }
0x5d: {  	_ =	shalt  }
0x5e: {  	_ =	shalt  }
0x5f: {  	_ =	shalt  }
0x60: {  	_ =	shalt  }
0x61: {  	_ =	shalt  }
0x62: {  	_ =	shalt  }
0x63: {  	_ =	shalt  }
0x64: {  	_ =	shalt  }
0x65: {  	_ =	shalt  }
0x66: {  	_ =	shalt  }
0x67: {  	_ =	shalt  }
0x68: {  	_ =	shalt  }
0x69: {  	_ =	shalt  }
0x6a: {  	_ =	shalt  }
0x6b: {  	_ =	shalt  }
0x6c: {  	_ =	shalt  }
0x6d: {  	_ =	shalt  }
0x6e: {  	_ =	shalt  }
0x6f: {  	_ =	shalt  }
0x70: {  	_ =	shalt  }
0x71: {  	_ =	shalt  }
0x72: {  	_ =	shalt  }
0x73: {  	_ =	shalt  }
0x74: {  	_ =	shalt  }
0x75: {  	_ =	shalt  }
0x76: {  	_ =	shalt  }
0x77: {  	_ =	shalt  }
0x78: {  	_ =	shalt  }
0x79: {  	_ =	shalt  }
0x7a: {  	_ =	shalt  }
0x7b: {  	_ =	shalt  }
0x7c: {  	_ =	shalt  }
0x7d: {  	_ =	shalt  }
0x7e: {  	_ =	shalt  }
0x7f: {  	_ =	shalt  }
0x80: {  	_ =	shalt  }
0x81: {  	_ =	shalt  }
0x82: {  	_ =	shalt  }
0x83: {  	_ =	shalt  }
0x84: {  	_ =	shalt  }
0x85: {  	_ =	shalt  }
0x86: {  	_ =	shalt  }
0x87: {  	_ =	shalt  }
.Lfunc_end0:
.L_simem_size_0:
called_computation_lowered:
.L_overlay_start_0:
0x88: {  	s2 =	sld [smem:$0x3FD9]  }
0x89: {  	s3 =	sld [smem:$0x3FFE];
	_ =	sdelay $0x1  }
0x8a: {  	s1 =	srdreg.scid  }
0x8b: {  	s0 =	sand.u32 $0x1, s1  }
0x8c: {  	s17 =	sshll.u32 s0, $0xA;
	s2 =	sadd.s32 s3, s2  }
0x8d: {  	s2 =	sadd.s32 s2, s17  }
0x8e: {  	[smem:$0x3FC3] =	sst s2  }
0x8f: {  	_ = 	snop  }
0x90: {  	s2 =	sld [smem:$0x3FC9]  }
0x91: {  	s18 =	sld [smem:$0x3FC8]  }
0x92: {  	s4 =	sld [smem:$0x3FC7]  }
0x93: {  	s5 =	sld [smem:$0x3FC6]  }
0x94: {  	s6 =	sld [smem:$0x3FC5];
	(tm) =	ssettm $0x1  }
0x95: {  	s7 =	sld [smem:$0x3FFB];
	_ =	sdelay $0x3  }
0x96: {  	_ =	strace s7  }
0x97: {  	s7 =	sld [smem:$0x3FFC];
	_ =	sdelay $0x3  }
0x98: {  	_ =	strace s7  }
0x99: {  	s7 =	sld [smem:$0x3FFD];
	_ =	sdelay $0x3  }
0x9a: {  	_ =	strace s7  }
0x9b: {  	_ =	strace $0x8FFFFFFF  }
0x9c: {  	s19 =	sld [smem:$0x3FDB];
	_ =	sdelay $0x1  }
0x9d: {  	s8 =	simm.s32 $_scs_section_size  }
0x9e: {  	s9 =	simm.s32 $_size__tile_overlayer_lowered;
	s10 =	simm.s32 $_tile_overlayer_lowered  }
0x9f: {  	s22 =	simm.s32 $0x1BFF;
	s21 =	sshll.u32 s10, $0x1;
	s7 =	sadd.s32 s8, s19  }
0xa0: {  	s11 =	simm.s32 $0x0;
	s20 =	sshll.u32 s9, $0x1;
	s9 =	sadd.s32 s21, s7  }
0xa1: {  	[timem:s11], [sflag:s22] =	dma.local [hbm:s9], s20  }
0xa2: {  	_ =	swait.ge [sflag:s22], s20  }
0xa3: {  	s8 =	ssub.s32 $0x0, s20;
	[sflag:s22] =	ssyncset.done $0x0  }
0xa4: {  	[sflag:s22] =	ssyncadd.s32 s8;
	_ =	sdelay $0x1  }
0xa5: {  	s23 =	simm.s32 $0x1B8B  }
0xa6: {  	_ =	swait.ge [sflag:s23], $0x1  }
0xa7: {  	[sflag:s23] =	ssyncset.done $0x0  }
0xa8: {  	s25 =	simm.s32 $0x1B8E;
	s24 =	sld [smem:$0x3FFE];
	[sflag:s23] =	ssyncadd.s32 $0xFFFFFFFF  }
0xa9: {  	s26 =	simm.s32 $execute0_lowered;
	[smem:$0x3FD2] =	sst s25  }
0xaa: {  	s9 =	sshll.u32 s26, $0x1;
	_ =	strace $0x80000046;
	[dreg:$0x1] =	wrdreg $0xFFFFFFFF  }
0xab: {  	s28 =	simm.s32 $_size_execute0_lowered;
	s7 =	sadd.s32 s7, s9;
	[dreg:$0x0] =	wrdreg $0x0  }
0xac: {  	s9 =	sshll.u32 s28, $0x1;
	[dreg:$0x2] =	wrdreg s7  }
0xad: {  	[dreg:$0x3] =	wrdreg s9  }
0xae: {  	[dreg:$0x4] =	wrdreg $0xC0  }
0xaf: {  	_ =	task [dreg:s11], $0x5FFFF  }
0xb0: {  	[dreg:$0x1] =	wrdreg $0xFFFFFFFF  }
0xb1: {  	[dreg:$0x0] =	wrdreg $0x60  }
0xb2: {  	[dreg:$0x2] =	wrdreg s2  }
0xb3: {  	[dreg:$0x3] =	wrdreg s18  }
0xb4: {  	[dreg:$0x4] =	wrdreg s4  }
0xb5: {  	[dreg:$0x5] =	wrdreg s5  }
0xb6: {  	[dreg:$0x6] =	wrdreg s6  }
0xb7: {  	[dreg:$0x7] =	wrdreg s24  }
0xb8: {  	[dreg:$0x8] =	wrdreg $0x9  }
0xb9: {  	_ =	task.clear_ibuf [dreg:s11], $0x9FFFF;
	_ =	strace $0x90000046  }
0xba: {  	s29 =	simm.s32 $0x9;
	_ =	strace $0x80000048  }
0xbb: {  	_ =	swait.ge [sflag:s29], $0x1  }
0xbc: {  	[sflag:s29] =	ssyncadd.s32 $0xFFFFFFFF  }
0xbd: {  	_ =	strace $0x90000048  }
0xbe: {  	_ =	sfence  }
0xbf: {  	s30 =	sld [smem:$0x0];
	_ =	sdelay $0x2  }
0xc0: {  	s31 =	sshll.u32 s1, $0xD;
	s1 =	sshrl.u32 s1, $0x2  }
0xc1: {  	s3 =	sand.u32 $0x4000, s31;
	s1 =	sadd.s32 s1, s30  }
0xc2: {  	s0 =	sor.u32 s3, s0;
	s1 =	sshll.u32 s1, $0x11  }
0xc3: {  	s0 =	sor.u32 s1, s0  }
0xc4: {  	s0 =	sadd.s32 $0x8F2B, s0  }
0xc5: {  	[sflag:s0] =	ssyncadd.remote.s32 $0x1  }
0xc6: {  	_ =	sfence.sel $0xFFFF  }
0xc7: {  	[dreg:$0x0] =	wrdreg $0xFFFFFFFF;
	(pc) =	sbr.abs _section_cstart, $3  }
0xc8: {  	[dreg:$0x1] =	wrdreg $0xFFFFFFFF  }
0xc9: {  	_ =	task.clear_ibuf [dreg:s11], $0x2FFFF;
	_ =	strace $0x9FFFFFFF  }
0xca: {  	(tm) =	ssettm $0x7FFFFFFF  }
0xcb: {  	_ =	shalt  }
tec
execute0_lowered:
.L_overlay_start_1:
0x0: {  	(tag) =	ssettag $0x1  }
0x1: {  	s7 =	rddreg [dreg:$0x0]  }
0x2: {  	s0 =	rddreg [dreg:$0x1]  }
0x3: {  	v0 =	vimm.s32 $0x3ED;
	vm0 =	vcmask $0x300;
	s1 =	rddreg [dreg:$0x2]  }
0x4: {  	vm4 =	vcmask $0x704;
	s2 =	rddreg [dreg:$0x3];
	v0 =	vsel vm0, $0x3E0, v0  }
0x5: {  	vm5 =	vcmask $0xB08;
	s4 =	rddreg [dreg:$0x4];
	vm6 =	vcmask $0xF0C;
	s5 =	srdreg.scid;
	v0 =	vsel vm4, $0x3E1, v0  }
0x6: {  	s3 =	stileid.u32;
	vm7 =	vcmask $0x1310;
	s11 =	rddreg [dreg:$0x5];
	vm8 =	vcmask $0x1714;
	s14 =	simm.s32 $0x4100;
	v0 =	vsel vm5, $0x3E2, v0  }
0x7: {  	vm9 =	vcmask $0x1B18;
	vm10 =	vcmask $0x1F1C;
	s15 =	simm.s32 $0x400;
	s16 =	simm.s32 $0x800;
	s17 =	simm.s32 $0xC80;
	v0 =	vsel vm6, $0x3E3, v0  }
0x8: {  	vm11 =	vcmask $0x2320;
	vm12 =	vcmask $0x2724;
	s18 =	simm.s32 $0x3;
	s19 =	simm.s32 $0x1100;
	s20 =	simm.s32 $0x1900;
	v0 =	vsel vm7, $0x3E4, v0  }
0x9: {  	vm13 =	vcmask $0x2B28;
	vm14 =	vcmask $0x2F2C;
	s21 =	simm.s32 $0x1;
	s22 =	simm.s32 $0x2;
	s23 =	simm.s32 $0x6100;
	v0 =	vsel vm8, $0x3E5, v0  }
0xa: {  	vm15 =	vcmask $0x3330;
	s24 =	simm.s32 $0x4;
	s8 =	sand.u32 $0x1, s5;
	s6 =	sshll.u32 s3, $0x1;
	v1 =	vsel vm9, $0x3E6, v0;
	v0 =	vlaneseq.u32  }
0xb: {  	v13 =	vimm.f32 $-1.000000000e+00;
	s25 =	simm.s32 $0x0;
	s5 =	rddreg [dreg:$0x6];
	s12 =	sor.u32 s8, s6;
	v2 =	vsel vm10, $0x3E7, v1;
	v1 =	vadd.s32 $0xFFFFFFFF, v0  }
0xc: {  	s6 =	simm.s32 $0x0;
	s8 =	ssub.s32 $0x2, s8;
	s9 =	sshll.u32 s12, $0xE;
	v7 =	vadd.s32 $0x3DF, v0;
	v8 =	vadd.s32 $0x3DE, v0;
	v3 =	vsel vm11, $0x3E8, v2  }
0xd: {  	[smem:$0x7FF] =	sst s6;
	s10 =	sshrl.u32 s8, $0x1;
	s12 =	sshll.u32 s12, $0x4;
	v9 =	vadd.s32 $0x3DD, v0;
	v10 =	vadd.s32 $0x1, v0;
	v4 =	vsel vm12, $0x3E9, v3  }
0xe: {  	s7 =	sadd.s32 s7, s9;
	_ =	strace $0x80000047;
	s13 =	ssub.s32 s8, s10;
	v11 =	vadd.s32 $0x2, v0;
	v12 =	vadd.s32 $0x3, v0;
	v5 =	vsel vm13, $0x3EA, v4  }
0xf: {  	s11 =	sadd.s32 s11, s12;
	s8 =	sadd.s32 $0x400, s7;
	s9 =	sadd.s32 $0x800, s7;
	v2 =	vimm.s32 $0x0;
	v3 =	vadd.s32 $0xFFFFFFFE, v0;
	v6 =	vsel vm14, $0x3EB, v5  }
0x10: {  	s10 =	sadd.s32 $0xC00, s7;
	s12 =	smax.u32 s13, $0x1;
	s13 =	simm.s32 $0x2100;
	v4 =	vadd.s32 $0xFFFFFFFD, v0;
	v5 =	vimm.f32 $1.000000000e+00;
	v6 =	vsel vm15, $0x3EC, v6  }
.LBB2_1:
0x11: {  	[tilespmem:s13], [sflag:$0x1] =	stream.linear.gather [hbm4b:s7+s6], $0x2000, $0x38;
	[tilespmem:$0x6180] =	vst v63  }
0x12: {  	_ = 	snop  }
0x13: {  	[tilespmem:s14], [sflag:$0x2] =	stream.linear.gather [hbm4b:s8+s6], $0x2000, $0x38;
	[tilespmem:$0x6180] =	vst v63  }
0x14: {  	_ = 	snop  }
0x15: {  	[tilespmem:s6], [sflag:$0x3] =	stream.linear.gather [hbm4b:s0+s6], $0x400, $0x38;
	[tilespmem:$0x6180] =	vst v63  }
0x16: {  	_ = 	snop  }
0x17: {  	[tilespmem:s15], [sflag:$0x3] =	stream.linear.gather [hbm4b:s1+s6], $0x400, $0x38;
	[tilespmem:$0x6180] =	vst v63  }
0x18: {  	_ = 	snop  }
0x19: {  	[tilespmem:s16], [sflag:$0x3] =	stream.linear.gather [hbm4b:s2+s6], $0x480, $0x38;
	[tilespmem:$0x6180] =	vst v63  }
0x1a: {  	_ = 	snop  }
0x1b: {  	[tilespmem:s17], [sflag:$0x3] =	stream.linear.gather [hbm4b:s4+s6], $0x480, $0x38;
	[tilespmem:$0x6180] =	vst v63  }
0x1c: {  	_ =	swait.ge [sflag:s18], $0x400  }
0x1d: {  	[sflag:s18] =	ssyncset.done $0x0  }
0x1e: {  	[sflag:s18] =	ssyncadd.s32 $0xFFFFFC00  }
0x1f: {  	_ =	swait.ge [sflag:s18], $0x400  }
0x20: {  	s26 =	simm.s32 $0x0;
	[sflag:s18] =	ssyncset.done $0x0  }
0x21: {  	v14 =	vadd.s32 s26, v1;
	[sflag:s18] =	ssyncadd.s32 $0xFFFFFC00  }
0x22: {  	v15 =	vor.u32 s26, v0;
	vm0 =	vgt.s32 v14, $0x0;
	_ =	swait.ge [sflag:s18], $0x480  }
0x23: {  	v16 =	vadd.s32 s26, v3;
	vm1 =	vlt.s32 v15, $0x3ED;
	v17 =	vnsel vm0, $0x0, v14;
	[sflag:s18] =	ssyncset.done $0x0  }
0x24: {  	v19 =	vadd.s32 s26, v4;
	v18 =	vnsel vm1, $0x3ED, v15;
	vm0 =	vgt.s32 v16, $0x0;
	[sflag:s18] =	ssyncadd.s32 $0xFFFFFB80  }
0x25: {  	vm1 =	vgt.s32 v19, $0x0;
	v20 =	vnsel vm0, $0x0, v16;
	_ =	swait.ge [sflag:s18], $0x480  }
0x26: {  	v21 =	vnsel vm1, $0x0, v19;
	[sflag:s18] =	ssyncset.done $0x0  }
0x27: {  	[sflag:s18] =	ssyncadd.s32 $0xFFFFFB80  }
0x28: {  	v17 =	vld.idx.msk [tilespmem:v17+s6+$0x0], $0xffff  }
0x29: {  	v22 =	vld.idx.msk [tilespmem:v18+s6+$0x0], $0xffff  }
0x2a: {  	v20 =	vld.idx.msk [tilespmem:v20+s6+$0x0], $0xffff  }
0x2b: {  	v21 =	vld.idx.msk [tilespmem:v21+s6+$0x0], $0xffff;
	_ =	sdelay $0x2  }
0x2c: {  	vm0 =	vgt.s32 v14, $0xFFFFFFFF;
	vm1 =	veq.s32 v17, v22  }
0x2d: {  	vm2 =	veq.s32 v20, v22;
	vm0 =	vmand vm0, vm1;
	vm1 =	vgt.s32 v16, $0xFFFFFFFF  }
0x2e: {  	vm3 =	veq.s32 v21, v22;
	vm1 =	vmand vm1, vm2;
	vm2 =	vgt.s32 v19, $0xFFFFFFFF  }
0x2f: {  	v14 =	vsel vm0, $0x1, v2;
	v16 =	vsel vm1, $0x1, v2;
	vm0 =	vmand vm2, vm3  }
0x30: {  	v14 =	vadd.s32 v14, v16;
	v16 =	vsel vm0, $0x1, v2  }
0x31: {  	v14 =	vadd.s32 v16, v14  }
0x32: {  	s31 =	simm.s32 $0x10;
	vm0 =	vlt.u32 v15, $0x3EE;
	v14 =	vshll.u32 v14, $0x9  }
0x33: {  	v15 =	vld.idx.msk [tilespmem:v18+s15+$0x0], $0xffff;
	v16 =	vor.u32 s31, v0;
	v14 =	vadd.s32 v22, v14  }
0x34: {  	v17 =	vadd.s32 s31, v1;
	vm1 =	vlt.s32 v16, $0x3ED  }
0x35: {  	v19 =	vadd.s32 s31, v3;
	v18 =	vnsel vm1, $0x3ED, v16;
	vm1 =	vgt.s32 v17, $0x0  }
0x36: {  	v61 =	vadd.s32 s31, v4;
	v60 =	vnsel vm1, $0x0, v17;
	vm1 =	vgt.s32 v19, $0x0  }
0x37: {  	v62 =	vnsel vm1, $0x0, v19;
	vm1 =	vgt.s32 v61, $0x0  }
0x38: {  	[tilespmem:v14+s19+$0x0] =	vst.idx.msk vm0, v15;
	v15 =	vnsel vm1, $0x0, v61  }
0x39: {  	[tilespmem:v14+s20+$0x0] =	vst.idx.msk vm0, v5  }
0x3a: {  	v23 =	vld.idx.msk [tilespmem:v18+s6+$0x0], $0xffff  }
0x3b: {  	v14 =	vld.idx.msk [tilespmem:v60+s6+$0x0], $0xffff  }
0x3c: {  	v63 =	vld.idx.msk [tilespmem:v62+s6+$0x0], $0xffff  }
0x3d: {  	v15 =	vld.idx.msk [tilespmem:v15+s6+$0x0], $0xffff;
	_ =	sdelay $0x2  }
0x3e: {  	vm0 =	vgt.s32 v17, $0xFFFFFFFF;
	vm1 =	veq.s32 v14, v23  }
0x3f: {  	vm2 =	veq.s32 v63, v23;
	vm0 =	vmand vm0, vm1;
	vm1 =	vgt.s32 v19, $0xFFFFFFFF  }
0x40: {  	vm1 =	vmand vm1, vm2;
	vm2 =	vgt.s32 v61, $0xFFFFFFFF;
	vm3 =	veq.s32 v15, v23  }
0x41: {  	v14 =	vsel vm0, $0x1, v2;
	v15 =	vsel vm1, $0x1, v2;
	vm0 =	vmand vm2, vm3  }
0x42: {  	v14 =	vadd.s32 v14, v15;
	v15 =	vsel vm0, $0x1, v2  }
0x43: {  	v14 =	vadd.s32 v15, v14  }
0x44: {  	s29 =	simm.s32 $0x20;
	vm0 =	vlt.u32 v16, $0x3EE;
	v17 =	vshll.u32 v14, $0x9  }
0x45: {  	s28 =	simm.s32 $0x2;
	s26 =	simm.s32 $0x30;
	v16 =	vld.idx.msk [tilespmem:v18+s15+$0x0], $0xffff;
	v15 =	vadd.s32 s29, v1;
	v14 =	vor.u32 s29, v0;
	v17 =	vadd.s32 v23, v17  }
.LBB2_2:
0x46: {  	s28 =	sadd.s32 $0x2, s28;
	vm1 =	vlt.s32 v14, $0x3ED;
	vm2 =	vgt.s32 v15, $0x0;
	v18 =	vadd.s32 s29, v3  }
0x47: {  	v21 =	vadd.s32 s29, v4;
	p0 =	slt.u32 s28, $0x3C;
	v19 =	vnsel vm1, $0x3ED, v14;
	v20 =	vnsel vm2, $0x0, v15  }
0x48: {  	vm1 =	vgt.s32 v18, $0x0;
	vm2 =	vgt.s32 v21, $0x0  }
0x49: {  	v22 =	vnsel vm1, $0x0, v18;
	v23 =	vnsel vm2, $0x0, v21  }
0x4a: {  	[tilespmem:v17+s19+$0x0] =	vst.idx.msk vm0, v16  }
0x4b: {  	[tilespmem:v17+s20+$0x0] =	vst.idx.msk vm0, v5  }
0x4c: {  	v16 =	vld.idx.msk [tilespmem:v20+s6+$0x0], $0xffff  }
0x4d: {  	v17 =	vld.idx.msk [tilespmem:v19+s6+$0x0], $0xffff  }
0x4e: {  	v20 =	vld.idx.msk [tilespmem:v22+s6+$0x0], $0xffff  }
0x4f: {  	v22 =	vld.idx.msk [tilespmem:v23+s6+$0x0], $0xffff;
	_ =	sdelay $0x3  }
0x50: {  	vm0 =	vgt.s32 v15, $0xFFFFFFFF;
	vm1 =	veq.s32 v16, v17  }
0x51: {  	vm0 =	vmand vm0, vm1;
	vm1 =	vgt.s32 v18, $0xFFFFFFFF;
	vm2 =	veq.s32 v20, v17  }
0x52: {  	vm1 =	vmand vm1, vm2;
	vm2 =	vgt.s32 v21, $0xFFFFFFFF;
	vm3 =	veq.s32 v22, v17  }
0x53: {  	v15 =	vsel vm0, $0x1, v2;
	v16 =	vsel vm1, $0x1, v2;
	vm0 =	vmand vm2, vm3  }
0x54: {  	v15 =	vadd.s32 v15, v16;
	v16 =	vsel vm0, $0x1, v2  }
0x55: {  	v15 =	vadd.s32 v16, v15  }
0x56: {  	vm0 =	vlt.u32 v14, $0x3EE;
	v15 =	vshll.u32 v15, $0x9;
	v16 =	vld.idx.msk [tilespmem:v19+s15+$0x0], $0xffff  }
0x57: {  	v14 =	vadd.s32 v17, v15;
	v15 =	vor.u32 s26, v0  }
0x58: {  	v17 =	vadd.s32 s26, v1;
	vm1 =	vlt.s32 v15, $0x3ED  }
0x59: {  	v18 =	vnsel vm1, $0x3ED, v15;
	vm1 =	vgt.s32 v17, $0x0  }
0x5a: {  	v20 =	vadd.s32 s26, v3;
	v19 =	vnsel vm1, $0x0, v17  }
0x5b: {  	v21 =	vadd.s32 s26, v4;
	vm1 =	vgt.s32 v20, $0x0  }
0x5c: {  	[tilespmem:v14+s19+$0x0] =	vst.idx.msk vm0, v16;
	v16 =	vnsel vm1, $0x0, v20;
	vm1 =	vgt.s32 v21, $0x0  }
0x5d: {  	[tilespmem:v14+s20+$0x0] =	vst.idx.msk vm0, v5;
	v14 =	vnsel vm1, $0x0, v21  }
0x5e: {  	v22 =	vld.idx.msk [tilespmem:v18+s6+$0x0], $0xffff  }
0x5f: {  	v19 =	vld.idx.msk [tilespmem:v19+s6+$0x0], $0xffff;
	_ =	sdelay $0x1  }
0x60: {  	v16 =	vld.idx.msk [tilespmem:v16+s6+$0x0], $0xffff  }
0x61: {  	v14 =	vld.idx.msk [tilespmem:v14+s6+$0x0], $0xffff;
	_ =	sdelay $0x2  }
0x62: {  	vm0 =	vgt.s32 v17, $0xFFFFFFFF;
	vm1 =	veq.s32 v19, v22  }
0x63: {  	vm0 =	vmand vm0, vm1  }
0x64: {  	vm1 =	vgt.s32 v20, $0xFFFFFFFF;
	vm2 =	veq.s32 v16, v22  }
0x65: {  	vm1 =	vmand vm1, vm2;
	vm2 =	vgt.s32 v21, $0xFFFFFFFF;
	vm3 =	veq.s32 v14, v22  }
.Ltmp0:
0x66: {  	v14 =	vsel vm0, $0x1, v2;
	v16 =	vsel vm1, $0x1, v2;
	vm0 =	vmand vm2, vm3;
	(pc) =	sbr.rel @p0 .LBB2_2-.Ltmp0, $4  }
0x67: {  	v14 =	vadd.s32 v14, v16;
	v17 =	vsel vm0, $0x1, v2  }
0x68: {  	s26 =	sadd.s32 $0x20, s26;
	vm0 =	vlt.u32 v15, $0x3EE;
	v14 =	vadd.s32 v17, v14;
	v16 =	vld.idx.msk [tilespmem:v18+s15+$0x0], $0xffff  }
0x69: {  	s29 =	sadd.s32 $0xFFFFFFF0, s26;
	v17 =	vshll.u32 v14, $0x9  }
0x6a: {  	v15 =	vadd.s32 s29, v1;
	v14 =	vor.u32 s29, v0;
	v17 =	vadd.s32 v22, v17  }
0x6b: {  	_ = 	snop  }
0x6c: {  	vm1 =	vgt.s32 v15, $0x0  }
0x6d: {  	vm2 =	vlt.s32 v14, $0x3ED;
	v18 =	vadd.s32 s29, v3;
	v19 =	vnsel vm1, $0x0, v15  }
0x6e: {  	v21 =	vadd.s32 s29, v4;
	v20 =	vnsel vm2, $0x3ED, v14;
	vm1 =	vgt.s32 v18, $0x0  }
0x6f: {  	vm2 =	vgt.s32 v21, $0x0;
	v22 =	vnsel vm1, $0x0, v18  }
0x70: {  	v23 =	vnsel vm2, $0x0, v21;
	[tilespmem:v17+s19+$0x0] =	vst.idx.msk vm0, v16  }
0x71: {  	[tilespmem:v17+s20+$0x0] =	vst.idx.msk vm0, v5  }
0x72: {  	v16 =	vld.idx.msk [tilespmem:v19+s6+$0x0], $0xffff  }
0x73: {  	v17 =	vld.idx.msk [tilespmem:v20+s6+$0x0], $0xffff  }
0x74: {  	v19 =	vld.idx.msk [tilespmem:v22+s6+$0x0], $0xffff  }
0x75: {  	v53 =	vld.idx.msk [tilespmem:v23+s6+$0x0], $0xffff;
	_ =	sdelay $0x2  }
0x76: {  	vm0 =	vgt.s32 v15, $0xFFFFFFFF;
	vm1 =	veq.s32 v16, v17  }
0x77: {  	vm0 =	vmand vm0, vm1;
	vm1 =	vgt.s32 v18, $0xFFFFFFFF;
	vm2 =	veq.s32 v19, v17  }
0x78: {  	vm3 =	veq.s32 v53, v17;
	vm1 =	vmand vm1, vm2;
	vm2 =	vgt.s32 v21, $0xFFFFFFFF  }
0x79: {  	v15 =	vsel vm0, $0x1, v2;
	v16 =	vsel vm1, $0x1, v2;
	vm0 =	vmand vm2, vm3  }
0x7a: {  	v15 =	vadd.s32 v15, v16;
	v16 =	vsel vm0, $0x1, v2  }
0x7b: {  	v15 =	vadd.s32 v16, v15  }
0x7c: {  	vm0 =	vlt.u32 v14, $0x3EE;
	v15 =	vshll.u32 v15, $0x9  }
0x7d: {  	v14 =	vld.idx.msk [tilespmem:v20+s15+$0x0], $0xffff;
	v16 =	vor.u32 s26, v0;
	v15 =	vadd.s32 v17, v15  }
0x7e: {  	vm1 =	vlt.s32 v16, $0x3ED;
	v17 =	vadd.s32 s26, v1  }
0x7f: {  	v19 =	vadd.s32 s26, v3;
	v18 =	vnsel vm1, $0x3ED, v16;
	vm1 =	vgt.s32 v17, $0x0  }
0x80: {  	v55 =	vadd.s32 s26, v4;
	v54 =	vnsel vm1, $0x0, v17;
	vm1 =	vgt.s32 v19, $0x0  }
0x81: {  	v56 =	vnsel vm1, $0x0, v19;
	vm1 =	vgt.s32 v55, $0x0  }
0x82: {  	[tilespmem:v15+s19+$0x0] =	vst.idx.msk vm0, v14;
	v14 =	vnsel vm1, $0x0, v55  }
0x83: {  	[tilespmem:v15+s20+$0x0] =	vst.idx.msk vm0, v5  }
0x84: {  	v15 =	vld.idx.msk [tilespmem:v18+s6+$0x0], $0xffff  }
0x85: {  	v20 =	vld.idx.msk [tilespmem:v54+s6+$0x0], $0xffff  }
0x86: {  	v22 =	vld.idx.msk [tilespmem:v56+s6+$0x0], $0xffff  }
0x87: {  	v14 =	vld.idx.msk [tilespmem:v14+s6+$0x0], $0xffff;
	_ =	sdelay $0x2  }
0x88: {  	vm0 =	vgt.s32 v17, $0xFFFFFFFF;
	vm1 =	veq.s32 v20, v15  }
0x89: {  	vm0 =	vmand vm0, vm1;
	vm1 =	vgt.s32 v19, $0xFFFFFFFF;
	vm2 =	veq.s32 v22, v15  }
0x8a: {  	vm1 =	vmand vm1, vm2;
	vm2 =	vgt.s32 v55, $0xFFFFFFFF;
	vm3 =	veq.s32 v14, v15  }
0x8b: {  	v14 =	vsel vm0, $0x1, v2;
	v17 =	vsel vm1, $0x1, v2;
	vm0 =	vmand vm2, vm3  }
0x8c: {  	v14 =	vadd.s32 v14, v17;
	v17 =	vsel vm0, $0x1, v2  }
0x8d: {  	v14 =	vadd.s32 v17, v14  }
0x8e: {  	vm0 =	vlt.u32 v16, $0x3EE;
	v14 =	vshll.u32 v14, $0x9  }
0x8f: {  	v16 =	vld.idx.msk [tilespmem:v18+s15+$0x0], $0xffff;
	v14 =	vadd.s32 v15, v14;
	_ =	sdelay $0x4  }
0x90: {  	[tilespmem:v14+s19+$0x0] =	vst.idx.msk vm0, v16  }
0x91: {  	[tilespmem:v14+s20+$0x0] =	vst.idx.msk vm0, v5  }
0x92: {  	v14 =	vld.idx.msk [tilespmem:v6+s6+$0x0], $0xffff  }
0x93: {  	v15 =	vld.idx.msk [tilespmem:v7+s6+$0x0], $0xffff  }
0x94: {  	v16 =	vld.idx.msk [tilespmem:v8+s6+$0x0], $0xffff  }
0x95: {  	v17 =	vld.idx.msk [tilespmem:v9+s6+$0x0], $0xffff;
	_ =	sdelay $0x3  }
0x96: {  	vm0 =	veq.s32 v15, v14;
	vm1 =	veq.s32 v16, v14  }
0x97: {  	v15 =	vsel vm0, $0x1, v2;
	v16 =	vsel vm1, $0x1, v2;
	vm0 =	veq.s32 v17, v14  }
0x98: {  	v15 =	vadd.s32 v15, v16;
	v16 =	vsel vm0, $0x1, v2  }
0x99: {  	v15 =	vadd.s32 v16, v15  }
0x9a: {  	s30 =	simm.s32 $0x0;
	v15 =	vshll.u32 v15, $0x9  }
0x9b: {  	v16 =	vld.idx.msk [tilespmem:v6+s15+$0x0], $0xffff;
	v14 =	vadd.s32 v14, v15;
	v15 =	vor.u32 s30, v10  }
0x9c: {  	v18 =	vor.u32 s30, v0;
	vm0 =	vlt.s32 v15, $0x411  }
0x9d: {  	v17 =	vor.u32 s30, v11;
	vm1 =	vlt.s32 v18, $0x411;
	v19 =	vnsel vm0, $0x411, v15  }
0x9e: {  	v58 =	vor.u32 s30, v12;
	v59 =	vnsel vm1, $0x411, v18;
	vm0 =	vlt.s32 v17, $0x411  }
0x9f: {  	v57 =	vnsel vm0, $0x411, v17;
	vm0 =	vlt.s32 v58, $0x411  }
0xa0: {  	[tilespmem:v14+s19+$0x0] =	vst.idx.msk $0x3fff, v16;
	v16 =	vnsel vm0, $0x411, v58  }
0xa1: {  	[tilespmem:v14+s20+$0x0] =	vst.idx.msk $0x3fff, v5  }
0xa2: {  	v14 =	vld.idx.msk [tilespmem:v19+s16+$0x0], $0xffff  }
0xa3: {  	v60 =	vld.idx.msk [tilespmem:v59+s16+$0x0], $0xffff  }
0xa4: {  	v19 =	vld.idx.msk [tilespmem:v57+s16+$0x0], $0xffff  }
0xa5: {  	v16 =	vld.idx.msk [tilespmem:v16+s16+$0x0], $0xffff;
	_ =	sdelay $0x2  }
0xa6: {  	vm4 =	vlt.u32 v58, $0x412;
	vm1 =	vlt.u32 v17, $0x412  }
0xa7: {  	vm0 =	vlt.u32 v15, $0x412;
	vm2 =	veq.s32 v14, v60;
	vm3 =	veq.s32 v19, v60  }
0xa8: {  	vm0 =	vmand vm0, vm2;
	vm1 =	vmand vm1, vm3;
	vm2 =	veq.s32 v16, v60  }
0xa9: {  	v14 =	vsel vm0, $0xFFFFFFFF, v2;
	v15 =	vsel vm1, $0xFFFFFFFF, v2;
	vm0 =	vmand vm4, vm2  }
0xaa: {  	v14 =	vadd.s32 v14, v15;
	v15 =	vsel vm0, $0xFFFFFFFF, v2  }
0xab: {  	v14 =	vadd.s32 v15, v14  }
0xac: {  	v14 =	vshll.u32 v14, $0x9  }
0xad: {  	s31 =	simm.s32 $0x10;
	vm0 =	vlt.u32 v18, $0x412;
	v14 =	vadd.s32 v14, v60  }
0xae: {  	v16 =	vor.u32 s31, v0;
	v15 =	vld.idx.msk [tilespmem:v59+s17+$0x0], $0xffff;
	v14 =	vadd.s32 $0x600, v14  }
0xaf: {  	v17 =	vadd.s32 s31, v10;
	vm1 =	vlt.s32 v16, $0x411  }
0xb0: {  	v19 =	vadd.s32 s31, v11;
	v18 =	vnsel vm1, $0x411, v16;
	vm1 =	vlt.s32 v17, $0x411  }
0xb1: {  	v62 =	vadd.s32 s31, v12;
	v61 =	vnsel vm1, $0x411, v17;
	vm1 =	vlt.s32 v19, $0x411  }
0xb2: {  	v63 =	vnsel vm1, $0x411, v19;
	vm1 =	vlt.s32 v62, $0x411  }
0xb3: {  	[tilespmem:v14+s19+$0x0] =	vst.idx.msk vm0, v15;
	v15 =	vnsel vm1, $0x411, v62  }
0xb4: {  	[tilespmem:v14+s20+$0x0] =	vst.idx.msk vm0, v13  }
0xb5: {  	v14 =	vld.idx.msk [tilespmem:v18+s16+$0x0], $0xffff  }
0xb6: {  	v20 =	vld.idx.msk [tilespmem:v61+s16+$0x0], $0xffff  }
0xb7: {  	v22 =	vld.idx.msk [tilespmem:v63+s16+$0x0], $0xffff  }
0xb8: {  	v15 =	vld.idx.msk [tilespmem:v15+s16+$0x0], $0xffff;
	_ =	sdelay $0x2  }
0xb9: {  	vm0 =	vlt.u32 v17, $0x412;
	vm1 =	veq.s32 v20, v14  }
0xba: {  	vm2 =	veq.s32 v22, v14;
	vm0 =	vmand vm0, vm1;
	vm1 =	vlt.u32 v19, $0x412  }
0xbb: {  	vm1 =	vmand vm1, vm2;
	vm2 =	vlt.u32 v62, $0x412;
	vm3 =	veq.s32 v15, v14  }
0xbc: {  	v15 =	vsel vm0, $0xFFFFFFFF, v2;
	v17 =	vsel vm1, $0xFFFFFFFF, v2;
	vm0 =	vmand vm2, vm3  }
0xbd: {  	v15 =	vadd.s32 v15, v17;
	v17 =	vsel vm0, $0xFFFFFFFF, v2  }
0xbe: {  	v15 =	vadd.s32 v17, v15  }
0xbf: {  	v15 =	vshll.u32 v15, $0x9  }
0xc0: {  	s29 =	simm.s32 $0x20;
	vm0 =	vlt.u32 v16, $0x412;
	v17 =	vadd.s32 v15, v14  }
0xc1: {  	s28 =	simm.s32 $0x2;
	s26 =	simm.s32 $0x30;
	v16 =	vld.idx.msk [tilespmem:v18+s17+$0x0], $0xffff;
	v14 =	vor.u32 s29, v0;
	v15 =	vor.u32 s29, v10;
	v17 =	vadd.s32 $0x600, v17  }
.LBB2_4:
0xc2: {  	s28 =	sadd.s32 $0x2, s28;
	vm1 =	vlt.s32 v14, $0x411;
	vm2 =	vlt.s32 v15, $0x411;
	v18 =	vor.u32 s29, v11  }
0xc3: {  	p0 =	slt.u32 s28, $0x40;
	v19 =	vnsel vm1, $0x411, v14;
	v20 =	vnsel vm2, $0x411, v15;
	vm1 =	vlt.s32 v18, $0x411  }
0xc4: {  	v22 =	vor.u32 s29, v12;
	v21 =	vnsel vm1, $0x411, v18  }
0xc5: {  	vm1 =	vlt.s32 v22, $0x411  }
0xc6: {  	v23 =	vnsel vm1, $0x411, v22;
	[tilespmem:v17+s19+$0x0] =	vst.idx.msk vm0, v16  }
0xc7: {  	[tilespmem:v17+s20+$0x0] =	vst.idx.msk vm0, v13  }
0xc8: {  	v16 =	vld.idx.msk [tilespmem:v20+s16+$0x0], $0xffff  }
0xc9: {  	v17 =	vld.idx.msk [tilespmem:v21+s16+$0x0], $0xffff  }
0xca: {  	v20 =	vld.idx.msk [tilespmem:v19+s16+$0x0], $0xffff  }
0xcb: {  	v21 =	vld.idx.msk [tilespmem:v23+s16+$0x0], $0xffff;
	_ =	sdelay $0x3  }
0xcc: {  	vm1 =	vlt.u32 v18, $0x412;
	vm0 =	vlt.u32 v15, $0x412  }
0xcd: {  	vm4 =	vlt.u32 v22, $0x412;
	vm2 =	veq.s32 v16, v20;
	vm3 =	veq.s32 v17, v20  }
0xce: {  	vm0 =	vmand vm0, vm2;
	vm1 =	vmand vm1, vm3;
	vm2 =	veq.s32 v21, v20  }
0xcf: {  	v15 =	vsel vm0, $0xFFFFFFFF, v2;
	v16 =	vsel vm1, $0xFFFFFFFF, v2;
	vm0 =	vmand vm4, vm2  }
0xd0: {  	v15 =	vadd.s32 v15, v16;
	v16 =	vsel vm0, $0xFFFFFFFF, v2  }
0xd1: {  	v15 =	vadd.s32 v16, v15  }
0xd2: {  	v15 =	vshll.u32 v15, $0x9  }
0xd3: {  	vm0 =	vlt.u32 v14, $0x412;
	v15 =	vadd.s32 v15, v20;
	v16 =	vld.idx.msk [tilespmem:v19+s17+$0x0], $0xffff  }
0xd4: {  	v14 =	vadd.s32 $0x600, v15;
	v15 =	vor.u32 s26, v0  }
0xd5: {  	v17 =	vadd.s32 s26, v10;
	vm1 =	vlt.s32 v15, $0x411  }
0xd6: {  	v18 =	vnsel vm1, $0x411, v15;
	vm1 =	vlt.s32 v17, $0x411  }
0xd7: {  	v20 =	vadd.s32 s26, v11;
	v19 =	vnsel vm1, $0x411, v17  }
0xd8: {  	v21 =	vadd.s32 s26, v12;
	vm1 =	vlt.s32 v20, $0x411  }
0xd9: {  	[tilespmem:v14+s19+$0x0] =	vst.idx.msk vm0, v16;
	v16 =	vnsel vm1, $0x411, v20;
	vm1 =	vlt.s32 v21, $0x411  }
0xda: {  	[tilespmem:v14+s20+$0x0] =	vst.idx.msk vm0, v13;
	v14 =	vnsel vm1, $0x411, v21  }
0xdb: {  	v22 =	vld.idx.msk [tilespmem:v18+s16+$0x0], $0xffff  }
0xdc: {  	v19 =	vld.idx.msk [tilespmem:v19+s16+$0x0], $0xffff;
	_ =	sdelay $0x1  }
0xdd: {  	v16 =	vld.idx.msk [tilespmem:v16+s16+$0x0], $0xffff  }
0xde: {  	v14 =	vld.idx.msk [tilespmem:v14+s16+$0x0], $0xffff;
	_ =	sdelay $0x2  }
0xdf: {  	vm0 =	vlt.u32 v17, $0x412;
	vm1 =	veq.s32 v19, v22  }
0xe0: {  	vm0 =	vmand vm0, vm1  }
0xe1: {  	vm1 =	vlt.u32 v20, $0x412;
	vm2 =	veq.s32 v16, v22  }
0xe2: {  	vm1 =	vmand vm1, vm2;
	vm2 =	vlt.u32 v21, $0x412;
	vm3 =	veq.s32 v14, v22  }
0xe3: {  	v14 =	vsel vm0, $0xFFFFFFFF, v2;
	v16 =	vsel vm1, $0xFFFFFFFF, v2;
	vm0 =	vmand vm2, vm3  }
.Ltmp1:
0xe4: {  	v14 =	vadd.s32 v14, v16;
	v16 =	vsel vm0, $0xFFFFFFFF, v2;
	(pc) =	sbr.rel @p0 .LBB2_4-.Ltmp1, $4  }
0xe5: {  	v14 =	vadd.s32 v16, v14  }
0xe6: {  	s26 =	sadd.s32 $0x20, s26;
	v14 =	vshll.u32 v14, $0x9  }
0xe7: {  	s29 =	sadd.s32 $0xFFFFFFF0, s26;
	vm0 =	vlt.u32 v15, $0x412;
	v17 =	vadd.s32 v14, v22;
	v16 =	vld.idx.msk [tilespmem:v18+s17+$0x0], $0xffff  }
0xe8: {  	v15 =	vor.u32 s29, v10;
	v14 =	vor.u32 s29, v0;
	v17 =	vadd.s32 $0x600, v17  }
0xe9: {  	_ = 	snop  }
0xea: {  	vm1 =	vlt.s32 v15, $0x411  }
0xeb: {  	v18 =	vor.u32 s29, v11;
	vm2 =	vlt.s32 v14, $0x411;
	v19 =	vnsel vm1, $0x411, v15  }
0xec: {  	v21 =	vor.u32 s29, v12;
	vm8 =	vlt.s32 v18, $0x411;
	v22 =	vnsel vm2, $0x411, v14  }
0xed: {  	vm9 =	vlt.s32 v21, $0x411;
	v20 =	vnsel vm8, $0x411, v18  }
0xee: {  	v23 =	vnsel vm9, $0x411, v21;
	[tilespmem:v17+s19+$0x0] =	vst.idx.msk vm0, v16  }
0xef: {  	[tilespmem:v17+s20+$0x0] =	vst.idx.msk vm0, v13  }
0xf0: {  	v16 =	vld.idx.msk [tilespmem:v19+s16+$0x0], $0xffff  }
0xf1: {  	v19 =	vld.idx.msk [tilespmem:v22+s16+$0x0], $0xffff  }
0xf2: {  	v17 =	vld.idx.msk [tilespmem:v20+s16+$0x0], $0xffff  }
0xf3: {  	v20 =	vld.idx.msk [tilespmem:v23+s16+$0x0], $0xffff;
	_ =	sdelay $0x2  }
0xf4: {  	vm10 =	vlt.u32 v15, $0x412;
	vm11 =	vlt.u32 v18, $0x412  }
0xf5: {  	vm4 =	vlt.u32 v21, $0x412;
	vm12 =	veq.s32 v16, v19;
	vm3 =	veq.s32 v17, v19  }
0xf6: {  	vm0 =	vmand vm10, vm12;
	vm13 =	veq.s32 v20, v19;
	vm1 =	vmand vm11, vm3  }
0xf7: {  	v15 =	vsel vm0, $0xFFFFFFFF, v2;
	vm14 =	vmand vm4, vm13;
	v16 =	vsel vm1, $0xFFFFFFFF, v2  }
0xf8: {  	v15 =	vadd.s32 v15, v16;
	v16 =	vsel vm14, $0xFFFFFFFF, v2  }
0xf9: {  	v15 =	vadd.s32 v16, v15  }
0xfa: {  	v15 =	vshll.u32 v15, $0x9  }
0xfb: {  	vm15 =	vlt.u32 v14, $0x412;
	v15 =	vadd.s32 v15, v19  }
0xfc: {  	v14 =	vld.idx.msk [tilespmem:v22+s17+$0x0], $0xffff;
	v16 =	vor.u32 s26, v0;
	v15 =	vadd.s32 $0x600, v15  }
0xfd: {  	v17 =	vadd.s32 s26, v10;
	vm4 =	vlt.s32 v16, $0x411  }
0xfe: {  	vm5 =	vlt.s32 v17, $0x411;
	v18 =	vnsel vm4, $0x411, v16;
	v19 =	vadd.s32 s26, v11  }
0xff: {  	v21 =	vadd.s32 s26, v12;
	v20 =	vnsel vm5, $0x411, v17;
	vm6 =	vlt.s32 v19, $0x411  }
0x100: {  	vm7 =	vlt.s32 v21, $0x411;
	v22 =	vnsel vm6, $0x411, v19  }
0x101: {  	[tilespmem:v15+s19+$0x0] =	vst.idx.msk vm15, v14;
	v14 =	vnsel vm7, $0x411, v21  }
0x102: {  	[tilespmem:v15+s20+$0x0] =	vst.idx.msk vm15, v13  }
0x103: {  	v15 =	vld.idx.msk [tilespmem:v18+s16+$0x0], $0xffff  }
0x104: {  	v20 =	vld.idx.msk [tilespmem:v20+s16+$0x0], $0xffff  }
0x105: {  	v22 =	vld.idx.msk [tilespmem:v22+s16+$0x0], $0xffff  }
0x106: {  	v14 =	vld.idx.msk [tilespmem:v14+s16+$0x0], $0xffff;
	_ =	sdelay $0x2  }
0x107: {  	vm12 =	vlt.u32 v21, $0x412;
	vm8 =	vlt.u32 v17, $0x412  }
0x108: {  	vm10 =	vlt.u32 v19, $0x412;
	vm9 =	veq.s32 v20, v15;
	vm11 =	veq.s32 v22, v15  }
0x109: {  	vm0 =	vmand vm8, vm9;
	vm1 =	vmand vm10, vm11;
	vm13 =	veq.s32 v14, v15  }
0x10a: {  	v17 =	vsel vm1, $0xFFFFFFFF, v2;
	v14 =	vsel vm0, $0xFFFFFFFF, v2;
	vm14 =	vmand vm12, vm13  }
0x10b: {  	v14 =	vadd.s32 v14, v17;
	v17 =	vsel vm14, $0xFFFFFFFF, v2  }
0x10c: {  	v14 =	vadd.s32 v17, v14  }
0x10d: {  	v14 =	vshll.u32 v14, $0x9  }
0x10e: {  	vm15 =	vlt.u32 v16, $0x412;
	v14 =	vadd.s32 v14, v15  }
0x10f: {  	v15 =	vld.idx.msk [tilespmem:v18+s17+$0x0], $0xffff;
	v14 =	vadd.s32 $0x600, v14;
	_ =	sdelay $0x4  }
0x110: {  	v21 =	vimm.f32 $0.0e+00;
	[tilespmem:v14+s19+$0x0] =	vst.idx.msk vm15, v15  }
0x111: {  	s26 =	simm.s32 $0x0;
	v16 =	vimm.f32 $0.0e+00;
	v15 =	vimm.f32 $0.0e+00;
	[tilespmem:v14+s20+$0x0] =	vst.idx.msk vm15, v13;
	v14 =	vimm.f32 $0.0e+00  }
.LBB2_6:
0x112: {  	_ =	swait.ge [sflag:s21], $0x2000  }
0x113: {  	[sflag:s21] =	ssyncset.done $0x0  }
0x114: {  	s28 =	simm.s32 $0x0;
	[sflag:s21] =	ssyncadd.s32 $0xFFFFE000  }
0x115: {  	v17 =	vld [tilespmem:s28+$0x1700]  }
0x116: {  	v18 =	vld [tilespmem:s28+$0x1500];
	_ =	sdelay $0x1  }
0x117: {  	v19 =	vld [tilespmem:s28+$0x1300];
	_ =	sdelay $0x2  }
0x118: {  	v20 =	vand.u32 $0x7F, v17;
	v22 =	vshll.u32 v18, $0x3  }
0x119: {  	v17 =	vshll.u32 v17, $0x3;
	v18 =	vand.u32 $0x7F, v18;
	v22 =	vand.u32 $0xFFFFFC00, v22  }
0x11a: {  	v23 =	vld [tilespmem:s28+$0x1100];
	v26 =	vshll.u32 v19, $0x3;
	v17 =	vand.u32 $0xFFFFFC00, v17;
	v25 =	vor.u32 v18, v22  }
0x11b: {  	v28 =	vand.u32 $0x7F, v19;
	v19 =	vld [tilespmem:s28+$0x1D00];
	v26 =	vand.u32 $0xFFFFFC00, v26;
	v22 =	vor.u32 v20, v17  }
0x11c: {  	v17 =	vld [tilespmem:s28+$0x1900];
	v26 =	vor.u32 v28, v26  }
0x11d: {  	v18 =	vld [tilespmem:s28+$0x1B00];
	v24 =	vor.u32 $0x80, v22  }
0x11e: {  	v20 =	vld [tilespmem:s28+$0x1F00];
	v27 =	vor.u32 $0x80, v25  }
0x11f: {  	v30 =	vshll.u32 v23, $0x3;
	v23 =	vand.u32 $0x7F, v23;
	v29 =	vor.u32 $0x180, v22;
	v36 =	vld.idx.msk [tilespmem:v25+s13+$0x0], $0xffff  }
0x120: {  	v28 =	vand.u32 $0xFFFFFC00, v30;
	v34 =	vor.u32 $0x100, v25;
	v40 =	vor.u32 $0x200, v26;
	v43 =	vld.idx.msk [tilespmem:v22+s13+$0x0], $0xffff  }
0x121: {  	v37 =	vor.u32 $0x100, v22;
	v33 =	vor.u32 $0x180, v25;
	v48 =	vor.u32 v23, v28;
	v41 =	vld.idx.msk [tilespmem:v26+s13+$0x0], $0xffff  }
0x122: {  	v23 =	vor.u32 $0x280, v26;
	v32 =	vor.u32 $0x100, v26;
	v28 =	vor.u32 $0x80, v26;
	v38 =	vld.idx.msk [tilespmem:v24+s13+$0x0], $0xffff  }
0x123: {  	v35 =	vor.u32 $0x200, v25;
	v52 =	vor.u32 $0x200, v22;
	v50 =	vor.u32 $0x80, v48;
	v49 =	vld.idx.msk [tilespmem:v27+s13+$0x0], $0xffff  }
0x124: {  	v44 =	vor.u32 $0x300, v26;
	v42 =	vor.u32 $0x380, v26;
	v56 =	vor.u32 $0x300, v22;
	v51 =	vld.idx.msk [tilespmem:v29+s13+$0x0], $0xffff  }
0x125: {  	v54 =	vor.u32 $0x380, v25;
	v30 =	vor.u32 $0x380, v22;
	v47 =	vor.u32 $0x300, v25;
	v55 =	vld.idx.msk [tilespmem:v40+s13+$0x0], $0xffff  }
0x126: {  	v39 =	vor.u32 $0x100, v48;
	v31 =	vor.u32 $0x180, v48;
	v45 =	vor.u32 $0x200, v48;
	v53 =	vld.idx.msk [tilespmem:v37+s13+$0x0], $0xffff  }
0x127: {  	v24 =	vor.u32 $0x180, v26;
	v46 =	vld.idx.msk [tilespmem:v34+s13+$0x0], $0xffff;
	v27 =	vor.u32 $0x280, v25;
	v26 =	vadd.f32 $-5.000000000e-01, v36  }
0x128: {  	v40 =	vor.u32 $0x300, v48;
	v29 =	vld.idx.msk [tilespmem:v50+s13+$0x0], $0xffff;
	v59 =	vadd.f32 $-5.000000000e-01, v43;
	v60 =	vadd.f32 $-5.000000000e-01, v38  }
0x129: {  	v50 =	vld.idx.msk [tilespmem:v56+s13+$0x0], $0xffff;
	v36 =	vor.u32 $0x380, v48;
	v61 =	vadd.f32 $-5.000000000e-01, v49;
	v63 =	vadd.f32 $-5.000000000e-01, v51  }
0x12a: {  	v51 =	vld.idx.msk [tilespmem:v52+s13+$0x0], $0xffff;
	v52 =	vadd.f32 $-5.000000000e-01, v55;
	v25 =	vmul.f32 v26, v19;
	v62 =	vmul.f32 v59, v20  }
0x12b: {  	v43 =	vld.idx.msk [tilespmem:v48+s13+$0x0], $0xffff;
	v26 =	vor.u32 $0x280, v48;
	v48 =	vadd.f32 $-5.000000000e-01, v53;
	v37 =	vmul.f32 v60, v20  }
0x12c: {  	s28 =	simm.s32 $0x40;
	v49 =	vld.idx.msk [tilespmem:v54+s13+$0x0], $0xffff;
	v38 =	vmul.f32 v61, v19;
	v34 =	vmax.f32 v25, v62;
	v25 =	vmul.f32 v63, v20  }
.LBB2_7:
0x12d: {  	p0 =	sne.s32 s28, $0x7C0;
	v47 =	vld.idx.msk [tilespmem:v47+s13+$0x0], $0xffff;
	s29 =	smov.u32 s28;
	s28 =	sadd.s32 $0x40, s28  }
0x12e: {  	v39 =	vld.idx.msk [tilespmem:v39+s13+$0x0], $0xffff;
	v52 =	vmul.f32 v52, v18  }
0x12f: {  	v45 =	vld.idx.msk [tilespmem:v45+s13+$0x0], $0xffff  }
0x130: {  	v51 =	vadd.f32 $-5.000000000e-01, v51;
	v44 =	vld.idx.msk [tilespmem:v44+s13+$0x0], $0xffff  }
0x131: {  	v41 =	vadd.f32 $-5.000000000e-01, v41;
	v42 =	vld.idx.msk [tilespmem:v42+s13+$0x0], $0xffff  }
0x132: {  	v46 =	vadd.f32 $-5.000000000e-01, v46;
	v49 =	vadd.f32 $-5.000000000e-01, v49;
	v51 =	vmul.f32 v51, v20;
	v33 =	vld.idx.msk [tilespmem:v33+s13+$0x0], $0xffff  }
0x133: {  	v48 =	vmul.f32 v48, v20;
	v41 =	vmul.f32 v41, v18;
	v50 =	vadd.f32 $-5.000000000e-01, v50;
	v35 =	vld.idx.msk [tilespmem:v35+s13+$0x0], $0xffff  }
0x134: {  	v46 =	vmul.f32 v46, v19;
	v47 =	vadd.f32 $-5.000000000e-01, v47;
	v39 =	vadd.f32 $-5.000000000e-01, v39;
	v40 =	vld.idx.msk [tilespmem:v40+s13+$0x0], $0xffff  }
0x135: {  	v49 =	vmul.f32 v49, v19;
	v50 =	vmul.f32 v50, v20;
	v45 =	vadd.f32 $-5.000000000e-01, v45;
	v32 =	vld.idx.msk [tilespmem:v32+s13+$0x0], $0xffff  }
0x136: {  	v43 =	vadd.f32 $-5.000000000e-01, v43;
	v47 =	vmul.f32 v47, v19;
	v39 =	vmul.f32 v39, v17;
	v31 =	vld.idx.msk [tilespmem:v31+s13+$0x0], $0xffff  }
0x137: {  	v22 =	vor.u32 $0x280, v22;
	v46 =	vmax.f32 v46, v48;
	v45 =	vmul.f32 v45, v17;
	v36 =	vld.idx.msk [tilespmem:v36+s13+$0x0], $0xffff  }
0x138: {  	v43 =	vmul.f32 v43, v17;
	v47 =	vmax.f32 v47, v50;
	v30 =	vld.idx.msk [tilespmem:v30+s13+$0x0], $0xffff  }
0x139: {  	v37 =	vmax.f32 v38, v37;
	v38 =	vadd.f32 $-5.000000000e-01, v42;
	v35 =	vadd.f32 $-5.000000000e-01, v35;
	v28 =	vld.idx.msk [tilespmem:v28+s13+$0x0], $0xffff  }
0x13a: {  	v41 =	vmax.f32 v43, v41;
	v43 =	vadd.f32 $-5.000000000e-01, v44;
	v42 =	vmax.f32 v45, v52;
	v24 =	vld.idx.msk [tilespmem:v24+s13+$0x0], $0xffff  }
0x13b: {  	v33 =	vadd.f32 $-5.000000000e-01, v33;
	v32 =	vadd.f32 $-5.000000000e-01, v32;
	v35 =	vmul.f32 v35, v19;
	v23 =	vld.idx.msk [tilespmem:v23+s13+$0x0], $0xffff  }
0x13c: {  	v34 =	vmax.f32 v41, v34;
	v40 =	vadd.f32 $-5.000000000e-01, v40;
	v31 =	vadd.f32 $-5.000000000e-01, v31;
	v22 =	vld.idx.msk [tilespmem:v22+s13+$0x0], $0xffff  }
0x13d: {  	v41 =	vmul.f32 v43, v18;
	v33 =	vmul.f32 v33, v19;
	v36 =	vadd.f32 $-5.000000000e-01, v36;
	v27 =	vld.idx.msk [tilespmem:v27+s13+$0x0], $0xffff  }
0x13e: {  	v29 =	vadd.f32 $-5.000000000e-01, v29;
	v21 =	vadd.f32 v34, v21;
	v34 =	vmul.f32 v38, v18  }
0x13f: {  	v35 =	vmax.f32 v35, v51;
	v28 =	vadd.f32 $-5.000000000e-01, v28;
	v36 =	vmul.f32 v36, v17  }
0x140: {  	v38 =	vmul.f32 v40, v17;
	v35 =	vmax.f32 v42, v35;
	v24 =	vadd.f32 $-5.000000000e-01, v24;
	v26 =	vld.idx.msk [tilespmem:v26+s13+$0x0], $0xffff  }
0x141: {  	v29 =	vmul.f32 v29, v17;
	v30 =	vadd.f32 $-5.000000000e-01, v30;
	v28 =	vmul.f32 v28, v18  }
0x142: {  	v38 =	vmax.f32 v38, v41;
	v24 =	vmul.f32 v24, v18;
	v22 =	vadd.f32 $-5.000000000e-01, v22  }
0x143: {  	v31 =	vmul.f32 v31, v17;
	v30 =	vmul.f32 v30, v20;
	v23 =	vadd.f32 $-5.000000000e-01, v23  }
0x144: {  	v25 =	vmax.f32 v33, v25;
	v32 =	vmul.f32 v32, v18;
	v33 =	vmax.f32 v38, v47  }
0x145: {  	v28 =	vmax.f32 v29, v28;
	v29 =	vmax.f32 v36, v34;
	v24 =	vmax.f32 v31, v24  }
0x146: {  	s29 =	sshra.s32 s29, $0x2;
	v27 =	vadd.f32 $-5.000000000e-01, v27;
	v20 =	vmul.f32 v22, v20;
	v22 =	vmax.f32 v49, v30  }
0x147: {  	v18 =	vmul.f32 v23, v18;
	v22 =	vmax.f32 v29, v22;
	v26 =	vadd.f32 $-5.000000000e-01, v26;
	v30 =	vld [tilespmem:s29+$0x1700]  }
0x148: {  	v28 =	vmax.f32 v28, v37;
	v24 =	vmax.f32 v24, v25;
	v19 =	vmul.f32 v27, v19;
	v23 =	vld [tilespmem:s29+$0x1500]  }
0x149: {  	v21 =	vadd.f32 v35, v21;
	v27 =	vmax.f32 v39, v32;
	v16 =	vadd.f32 v24, v16;
	v25 =	vld [tilespmem:s29+$0x1300]  }
0x14a: {  	v27 =	vmax.f32 v27, v46;
	v19 =	vmax.f32 v19, v20;
	v17 =	vmul.f32 v26, v17;
	v24 =	vld [tilespmem:s29+$0x1100]  }
0x14b: {  	v14 =	vadd.f32 v27, v14;
	v16 =	vadd.f32 v22, v16  }
0x14c: {  	v17 =	vmax.f32 v17, v18;
	v20 =	vand.u32 $0x7F, v30;
	v22 =	vshll.u32 v30, $0x3  }
0x14d: {  	v14 =	vadd.f32 v33, v14;
	v18 =	vand.u32 $0x7F, v23;
	v23 =	vshll.u32 v23, $0x3  }
0x14e: {  	v19 =	vmax.f32 v17, v19;
	v22 =	vand.u32 $0xFFFFFC00, v22;
	v23 =	vand.u32 $0xFFFFFC00, v23  }
0x14f: {  	v15 =	vadd.f32 v28, v15;
	v22 =	vor.u32 v20, v22;
	v26 =	vor.u32 v18, v23  }
0x150: {  	v23 =	vshll.u32 v25, $0x3;
	v28 =	vor.u32 $0x80, v22;
	v17 =	vld [tilespmem:s29+$0x1900];
	v27 =	vor.u32 $0x80, v26  }
0x151: {  	v15 =	vadd.f32 v19, v15;
	v34 =	vor.u32 $0x100, v22;
	v29 =	vor.u32 $0x100, v26;
	v18 =	vld [tilespmem:s29+$0x1B00]  }
0x152: {  	v30 =	vshll.u32 v24, $0x3;
	v25 =	vand.u32 $0x7F, v25;
	v23 =	vand.u32 $0xFFFFFC00, v23;
	v20 =	vld [tilespmem:s29+$0x1F00]  }
0x153: {  	v36 =	vor.u32 $0x180, v22;
	v33 =	vor.u32 $0x180, v26;
	v25 =	vor.u32 v25, v23;
	v19 =	vld [tilespmem:s29+$0x1D00]  }
0x154: {  	v23 =	vand.u32 $0x7F, v24;
	v24 =	vand.u32 $0xFFFFFC00, v30;
	v38 =	vor.u32 $0x200, v25;
	v37 =	vld.idx.msk [tilespmem:v26+s13+$0x0], $0xffff  }
0x155: {  	v43 =	vor.u32 v23, v24;
	v24 =	vor.u32 $0x180, v25;
	v23 =	vor.u32 $0x280, v25;
	v46 =	vld.idx.msk [tilespmem:v28+s13+$0x0], $0xffff  }
0x156: {  	v32 =	vor.u32 $0x100, v25;
	v39 =	vor.u32 $0x100, v43;
	v31 =	vor.u32 $0x180, v43;
	v48 =	vld.idx.msk [tilespmem:v22+s13+$0x0], $0xffff  }
0x157: {  	v50 =	vor.u32 $0x200, v22;
	v35 =	vor.u32 $0x200, v26;
	v28 =	vor.u32 $0x80, v25;
	v49 =	vld.idx.msk [tilespmem:v27+s13+$0x0], $0xffff  }
0x158: {  	v44 =	vor.u32 $0x300, v25;
	v51 =	vor.u32 $0x80, v43;
	v45 =	vor.u32 $0x200, v43;
	v52 =	vld.idx.msk [tilespmem:v36+s13+$0x0], $0xffff  }
0x159: {  	v53 =	vor.u32 $0x380, v26;
	v30 =	vor.u32 $0x380, v22;
	v42 =	vor.u32 $0x380, v25;
	v41 =	vld.idx.msk [tilespmem:v25+s13+$0x0], $0xffff  }
0x15a: {  	v55 =	vor.u32 $0x300, v22;
	v47 =	vor.u32 $0x300, v26;
	v25 =	vadd.f32 $-5.000000000e-01, v37;
	v54 =	vld.idx.msk [tilespmem:v34+s13+$0x0], $0xffff  }
0x15b: {  	v40 =	vor.u32 $0x300, v43;
	v27 =	vor.u32 $0x280, v26;
	v36 =	vor.u32 $0x380, v43;
	v56 =	vld.idx.msk [tilespmem:v38+s13+$0x0], $0xffff  }
0x15c: {  	v37 =	vadd.f32 $-5.000000000e-01, v46;
	v25 =	vmul.f32 v25, v19;
	v34 =	vadd.f32 $-5.000000000e-01, v48;
	v46 =	vld.idx.msk [tilespmem:v29+s13+$0x0], $0xffff  }
.Ltmp2:
0x15d: {  	v26 =	vor.u32 $0x280, v43;
	v38 =	vadd.f32 $-5.000000000e-01, v49;
	v29 =	vld.idx.msk [tilespmem:v51+s13+$0x0], $0xffff;
	(pc) =	sbr.rel @p0 .LBB2_7-.Ltmp2, $4  }
0x15e: {  	v37 =	vmul.f32 v37, v20;
	v34 =	vmul.f32 v34, v20;
	v49 =	vadd.f32 $-5.000000000e-01, v52;
	v43 =	vld.idx.msk [tilespmem:v43+s13+$0x0], $0xffff  }
0x15f: {  	v38 =	vmul.f32 v38, v19;
	v51 =	vld.idx.msk [tilespmem:v50+s13+$0x0], $0xffff  }
0x160: {  	v34 =	vmax.f32 v25, v34;
	v48 =	vadd.f32 $-5.000000000e-01, v54;
	v25 =	vmul.f32 v49, v20;
	v49 =	vld.idx.msk [tilespmem:v53+s13+$0x0], $0xffff  }
0x161: {  	v52 =	vadd.f32 $-5.000000000e-01, v56;
	v50 =	vld.idx.msk [tilespmem:v55+s13+$0x0], $0xffff  }
0x162: {  	_ =	sdelay $0x3  }
0x163: {  	v47 =	vld.idx.msk [tilespmem:v47+s13+$0x0], $0xffff  }
0x164: {  	v39 =	vld.idx.msk [tilespmem:v39+s13+$0x0], $0xffff  }
0x165: {  	v45 =	vld.idx.msk [tilespmem:v45+s13+$0x0], $0xffff  }
0x166: {  	v44 =	vld.idx.msk [tilespmem:v44+s13+$0x0], $0xffff  }
0x167: {  	v42 =	vld.idx.msk [tilespmem:v42+s13+$0x0], $0xffff  }
0x168: {  	v41 =	vadd.f32 $-5.000000000e-01, v41;
	v46 =	vadd.f32 $-5.000000000e-01, v46;
	v33 =	vld.idx.msk [tilespmem:v33+s13+$0x0], $0xffff  }
0x169: {  	v48 =	vmul.f32 v48, v20;
	v35 =	vld.idx.msk [tilespmem:v35+s13+$0x0], $0xffff;
	v22 =	vor.u32 $0x280, v22;
	v37 =	vmax.f32 v38, v37  }
0x16a: {  	v40 =	vld.idx.msk [tilespmem:v40+s13+$0x0], $0xffff;
	v29 =	vadd.f32 $-5.000000000e-01, v29;
	v52 =	vmul.f32 v52, v18;
	v43 =	vadd.f32 $-5.000000000e-01, v43  }
0x16b: {  	v32 =	vld.idx.msk [tilespmem:v32+s13+$0x0], $0xffff;
	v51 =	vadd.f32 $-5.000000000e-01, v51;
	v41 =	vmul.f32 v41, v18;
	v46 =	vmul.f32 v46, v19  }
0x16c: {  	v31 =	vld.idx.msk [tilespmem:v31+s13+$0x0], $0xffff;
	v29 =	vmul.f32 v29, v17;
	v49 =	vadd.f32 $-5.000000000e-01, v49;
	v50 =	vadd.f32 $-5.000000000e-01, v50  }
0x16d: {  	v36 =	vld.idx.msk [tilespmem:v36+s13+$0x0], $0xffff;
	v43 =	vmul.f32 v43, v17;
	v39 =	vadd.f32 $-5.000000000e-01, v39;
	v47 =	vadd.f32 $-5.000000000e-01, v47  }
0x16e: {  	v28 =	vld.idx.msk [tilespmem:v28+s13+$0x0], $0xffff;
	v51 =	vmul.f32 v51, v20;
	v45 =	vadd.f32 $-5.000000000e-01, v45;
	v35 =	vadd.f32 $-5.000000000e-01, v35  }
0x16f: {  	v24 =	vld.idx.msk [tilespmem:v24+s13+$0x0], $0xffff;
	v46 =	vmax.f32 v46, v48;
	v56 =	vadd.f32 $-5.000000000e-01, v42;
	v58 =	vadd.f32 $-5.000000000e-01, v44  }
0x170: {  	v30 =	vld.idx.msk [tilespmem:v30+s13+$0x0], $0xffff;
	v49 =	vmul.f32 v49, v19;
	v32 =	vadd.f32 $-5.000000000e-01, v32;
	v33 =	vadd.f32 $-5.000000000e-01, v33  }
0x171: {  	v23 =	vld.idx.msk [tilespmem:v23+s13+$0x0], $0xffff;
	v41 =	vmax.f32 v43, v41;
	v31 =	vadd.f32 $-5.000000000e-01, v31;
	v40 =	vadd.f32 $-5.000000000e-01, v40  }
0x172: {  	v27 =	vld.idx.msk [tilespmem:v27+s13+$0x0], $0xffff;
	v36 =	vadd.f32 $-5.000000000e-01, v36;
	v50 =	vmul.f32 v50, v20;
	v47 =	vmul.f32 v47, v19  }
0x173: {  	v26 =	vld.idx.msk [tilespmem:v26+s13+$0x0], $0xffff;
	v28 =	vadd.f32 $-5.000000000e-01, v28;
	v39 =	vmul.f32 v39, v17;
	v45 =	vmul.f32 v45, v17  }
0x174: {  	v24 =	vadd.f32 $-5.000000000e-01, v24;
	v35 =	vmul.f32 v35, v19;
	v33 =	vmul.f32 v33, v19  }
0x175: {  	s28 =	sshll.u32 s26, $0x1;
	v30 =	vadd.f32 $-5.000000000e-01, v30;
	v59 =	vmul.f32 v58, v18;
	v60 =	vmul.f32 v56, v18  }
0x176: {  	s29 =	smin.u32 s28, $0xD;
	v23 =	vadd.f32 $-5.000000000e-01, v23;
	v36 =	vmul.f32 v36, v17;
	v61 =	vmul.f32 v40, v17  }
0x177: {  	s29 =	sshll.u32 s29, $0xA;
	v27 =	vadd.f32 $-5.000000000e-01, v27;
	v28 =	vmul.f32 v28, v18;
	v24 =	vmul.f32 v24, v18  }
0x178: {  	s30 =	simm.s32 $0x0;
	s29 =	sadd.s32 s29, s9;
	v22 =	vld.idx.msk [tilespmem:v22+s13+$0x0], $0xffff;
	v26 =	vadd.f32 $-5.000000000e-01, v26;
	v31 =	vmul.f32 v31, v17;
	v30 =	vmul.f32 v30, v20  }
0x179: {  	[tilespmem:s13], [sflag:$0x1] =	stream.linear.gather [hbm4b:s29+s30], $0x2000, $0x38;
	v34 =	vmax.f32 v41, v34;
	v32 =	vmul.f32 v32, v18;
	v18 =	vmul.f32 v23, v18;
	[tilespmem:$0x6180] =	vst v63  }
0x17a: {  	_ =	swait.ge [sflag:s22], $0x2000;
	v21 =	vadd.f32 v34, v21;
	v19 =	vmul.f32 v27, v19;
	v17 =	vmul.f32 v26, v17  }
0x17b: {  	[sflag:s22] =	ssyncset.done $0x0;
	v47 =	vmax.f32 v47, v50;
	v57 =	vmax.f32 v45, v52;
	v35 =	vmax.f32 v35, v51  }
0x17c: {  	s29 =	simm.s32 $0x0;
	[sflag:s22] =	ssyncadd.s32 $0xFFFFE000;
	v38 =	vmax.f32 v61, v59;
	v25 =	vmax.f32 v33, v25;
	v28 =	vmax.f32 v29, v28  }
0x17d: {  	v24 =	vmax.f32 v31, v24;
	v29 =	vmax.f32 v36, v60;
	v31 =	vld [tilespmem:s29+$0x1700];
	v22 =	vadd.f32 $-5.000000000e-01, v22  }
0x17e: {  	v18 =	vmax.f32 v17, v18;
	v35 =	vmax.f32 v57, v35;
	v62 =	vmax.f32 v38, v47  }
0x17f: {  	v28 =	vmax.f32 v28, v37;
	v20 =	vmul.f32 v22, v20;
	v22 =	vmax.f32 v49, v30  }
0x180: {  	v21 =	vadd.f32 v35, v21;
	v30 =	vld [tilespmem:s29+$0x1500];
	v23 =	vmax.f32 v29, v22;
	v22 =	vmax.f32 v24, v25  }
0x181: {  	v15 =	vadd.f32 v28, v15;
	v24 =	vmax.f32 v39, v32;
	v16 =	vadd.f32 v22, v16  }
0x182: {  	v22 =	vmax.f32 v24, v46;
	v19 =	vmax.f32 v19, v20;
	v24 =	vld [tilespmem:s29+$0x1300];
	v25 =	vshll.u32 v31, $0x3  }
0x183: {  	v20 =	vand.u32 $0x7F, v31;
	v25 =	vand.u32 $0xFFFFFC00, v25;
	v14 =	vadd.f32 v22, v14  }
0x184: {  	v29 =	vld [tilespmem:s29+$0x1100];
	v19 =	vmax.f32 v18, v19;
	v22 =	vor.u32 v20, v25;
	v16 =	vadd.f32 v23, v16  }
0x185: {  	v17 =	vld [tilespmem:s29+$0x1900];
	v15 =	vadd.f32 v19, v15;
	v26 =	vshll.u32 v30, $0x3;
	v25 =	vor.u32 $0x80, v22  }
0x186: {  	v18 =	vld [tilespmem:s29+$0x1B00];
	v27 =	vand.u32 $0x7F, v30;
	v14 =	vadd.f32 v62, v14;
	v28 =	vor.u32 $0x180, v22  }
0x187: {  	v20 =	vld [tilespmem:s29+$0x1F00];
	v57 =	vor.u32 $0x100, v22;
	v26 =	vand.u32 $0xFFFFFC00, v26;
	v19 =	vshll.u32 v24, $0x3  }
0x188: {  	v26 =	vor.u32 v27, v26;
	v23 =	vand.u32 $0x7F, v24;
	v24 =	vand.u32 $0xFFFFFC00, v19;
	v19 =	vld [tilespmem:s29+$0x1D00]  }
0x189: {  	v50 =	vor.u32 $0x200, v22;
	v30 =	vshll.u32 v29, $0x3;
	v27 =	vor.u32 $0x80, v26;
	v58 =	vld.idx.msk [tilespmem:v22+s14+$0x0], $0xffff  }
0x18a: {  	v63 =	vor.u32 $0x100, v26;
	v33 =	vor.u32 $0x180, v26;
	v35 =	vor.u32 $0x200, v26;
	v25 =	vld.idx.msk [tilespmem:v25+s14+$0x0], $0xffff  }
0x18b: {  	v53 =	vor.u32 $0x380, v26;
	v47 =	vor.u32 $0x300, v26;
	v55 =	vor.u32 v23, v24;
	v49 =	vld.idx.msk [tilespmem:v28+s14+$0x0], $0xffff  }
0x18c: {  	v23 =	vand.u32 $0x7F, v29;
	v24 =	vand.u32 $0xFFFFFC00, v30;
	v29 =	vor.u32 $0x200, v55;
	v52 =	vld.idx.msk [tilespmem:v57+s14+$0x0], $0xffff  }
0x18d: {  	v30 =	vor.u32 $0x380, v22;
	v48 =	vor.u32 v23, v24;
	v24 =	vor.u32 $0x180, v55;
	v56 =	vld.idx.msk [tilespmem:v26+s14+$0x0], $0xffff  }
0x18e: {  	v23 =	vor.u32 $0x280, v55;
	v32 =	vor.u32 $0x100, v55;
	v28 =	vor.u32 $0x80, v55;
	v51 =	vld.idx.msk [tilespmem:v50+s14+$0x0], $0xffff  }
0x18f: {  	v44 =	vor.u32 $0x300, v55;
	v42 =	vor.u32 $0x380, v55;
	v39 =	vor.u32 $0x100, v48;
	v27 =	vld.idx.msk [tilespmem:v27+s14+$0x0], $0xffff  }
0x190: {  	v31 =	vor.u32 $0x180, v48;
	v59 =	vor.u32 $0x80, v48;
	v45 =	vor.u32 $0x200, v48;
	v41 =	vld.idx.msk [tilespmem:v55+s14+$0x0], $0xffff  }
0x191: {  	v40 =	vor.u32 $0x300, v48;
	v55 =	vor.u32 $0x300, v22;
	v61 =	vadd.f32 $-5.000000000e-01, v58;
	v54 =	vld.idx.msk [tilespmem:v29+s14+$0x0], $0xffff  }
0x192: {  	v36 =	vor.u32 $0x380, v48;
	v46 =	vld.idx.msk [tilespmem:v63+s14+$0x0], $0xffff;
	v25 =	vadd.f32 $-5.000000000e-01, v25;
	v60 =	vadd.f32 $-5.000000000e-01, v56  }
0x193: {  	v26 =	vor.u32 $0x280, v26;
	v50 =	vld.idx.msk [tilespmem:v53+s14+$0x0], $0xffff;
	v49 =	vadd.f32 $-5.000000000e-01, v49;
	v56 =	vmul.f32 v61, v20  }
0x194: {  	v43 =	vld.idx.msk [tilespmem:v48+s14+$0x0], $0xffff;
	v37 =	vmul.f32 v25, v20;
	v63 =	vadd.f32 $-5.000000000e-01, v27;
	v62 =	vmul.f32 v60, v19  }
0x195: {  	v29 =	vld.idx.msk [tilespmem:v59+s14+$0x0], $0xffff;
	v25 =	vmul.f32 v49, v20;
	v27 =	vor.u32 $0x280, v48;
	v48 =	vadd.f32 $-5.000000000e-01, v52  }
0x196: {  	s29 =	simm.s32 $0x40;
	v49 =	vld.idx.msk [tilespmem:v55+s14+$0x0], $0xffff;
	v38 =	vmul.f32 v63, v19;
	v52 =	vadd.f32 $-5.000000000e-01, v54;
	v34 =	vmax.f32 v62, v56  }
.LBB2_9:
0x197: {  	p0 =	sne.s32 s29, $0x7C0;
	v47 =	vld.idx.msk [tilespmem:v47+s14+$0x0], $0xffff;
	s30 =	smov.u32 s29;
	s29 =	sadd.s32 $0x40, s29  }
0x198: {  	v39 =	vld.idx.msk [tilespmem:v39+s14+$0x0], $0xffff;
	v52 =	vmul.f32 v52, v18  }
0x199: {  	v45 =	vld.idx.msk [tilespmem:v45+s14+$0x0], $0xffff  }
0x19a: {  	v51 =	vadd.f32 $-5.000000000e-01, v51;
	v44 =	vld.idx.msk [tilespmem:v44+s14+$0x0], $0xffff  }
0x19b: {  	v41 =	vadd.f32 $-5.000000000e-01, v41;
	v42 =	vld.idx.msk [tilespmem:v42+s14+$0x0], $0xffff  }
0x19c: {  	v46 =	vadd.f32 $-5.000000000e-01, v46;
	v50 =	vadd.f32 $-5.000000000e-01, v50;
	v51 =	vmul.f32 v51, v20;
	v33 =	vld.idx.msk [tilespmem:v33+s14+$0x0], $0xffff  }
0x19d: {  	v48 =	vmul.f32 v48, v20;
	v41 =	vmul.f32 v41, v18;
	v49 =	vadd.f32 $-5.000000000e-01, v49;
	v35 =	vld.idx.msk [tilespmem:v35+s14+$0x0], $0xffff  }
0x19e: {  	v46 =	vmul.f32 v46, v19;
	v47 =	vadd.f32 $-5.000000000e-01, v47;
	v39 =	vadd.f32 $-5.000000000e-01, v39;
	v40 =	vld.idx.msk [tilespmem:v40+s14+$0x0], $0xffff  }
0x19f: {  	v50 =	vmul.f32 v50, v19;
	v49 =	vmul.f32 v49, v20;
	v45 =	vadd.f32 $-5.000000000e-01, v45;
	v32 =	vld.idx.msk [tilespmem:v32+s14+$0x0], $0xffff  }
0x1a0: {  	v43 =	vadd.f32 $-5.000000000e-01, v43;
	v47 =	vmul.f32 v47, v19;
	v39 =	vmul.f32 v39, v17;
	v31 =	vld.idx.msk [tilespmem:v31+s14+$0x0], $0xffff  }
0x1a1: {  	v22 =	vor.u32 $0x280, v22;
	v46 =	vmax.f32 v46, v48;
	v45 =	vmul.f32 v45, v17;
	v36 =	vld.idx.msk [tilespmem:v36+s14+$0x0], $0xffff  }
0x1a2: {  	v43 =	vmul.f32 v43, v17;
	v47 =	vmax.f32 v47, v49;
	v30 =	vld.idx.msk [tilespmem:v30+s14+$0x0], $0xffff  }
0x1a3: {  	v37 =	vmax.f32 v38, v37;
	v38 =	vadd.f32 $-5.000000000e-01, v42;
	v35 =	vadd.f32 $-5.000000000e-01, v35;
	v28 =	vld.idx.msk [tilespmem:v28+s14+$0x0], $0xffff  }
0x1a4: {  	v41 =	vmax.f32 v43, v41;
	v43 =	vadd.f32 $-5.000000000e-01, v44;
	v42 =	vmax.f32 v45, v52;
	v24 =	vld.idx.msk [tilespmem:v24+s14+$0x0], $0xffff  }
0x1a5: {  	v33 =	vadd.f32 $-5.000000000e-01, v33;
	v32 =	vadd.f32 $-5.000000000e-01, v32;
	v35 =	vmul.f32 v35, v19;
	v23 =	vld.idx.msk [tilespmem:v23+s14+$0x0], $0xffff  }
0x1a6: {  	v34 =	vmax.f32 v41, v34;
	v40 =	vadd.f32 $-5.000000000e-01, v40;
	v31 =	vadd.f32 $-5.000000000e-01, v31;
	v22 =	vld.idx.msk [tilespmem:v22+s14+$0x0], $0xffff  }
0x1a7: {  	v41 =	vmul.f32 v43, v18;
	v33 =	vmul.f32 v33, v19;
	v36 =	vadd.f32 $-5.000000000e-01, v36;
	v26 =	vld.idx.msk [tilespmem:v26+s14+$0x0], $0xffff  }
0x1a8: {  	v29 =	vadd.f32 $-5.000000000e-01, v29;
	v21 =	vadd.f32 v34, v21;
	v34 =	vmul.f32 v38, v18  }
0x1a9: {  	v35 =	vmax.f32 v35, v51;
	v28 =	vadd.f32 $-5.000000000e-01, v28;
	v36 =	vmul.f32 v36, v17  }
0x1aa: {  	v38 =	vmul.f32 v40, v17;
	v35 =	vmax.f32 v42, v35;
	v24 =	vadd.f32 $-5.000000000e-01, v24;
	v27 =	vld.idx.msk [tilespmem:v27+s14+$0x0], $0xffff  }
0x1ab: {  	v29 =	vmul.f32 v29, v17;
	v30 =	vadd.f32 $-5.000000000e-01, v30;
	v28 =	vmul.f32 v28, v18  }
0x1ac: {  	v38 =	vmax.f32 v38, v41;
	v24 =	vmul.f32 v24, v18;
	v22 =	vadd.f32 $-5.000000000e-01, v22  }
0x1ad: {  	v31 =	vmul.f32 v31, v17;
	v30 =	vmul.f32 v30, v20;
	v23 =	vadd.f32 $-5.000000000e-01, v23  }
0x1ae: {  	v25 =	vmax.f32 v33, v25;
	v32 =	vmul.f32 v32, v18;
	v33 =	vmax.f32 v38, v47  }
0x1af: {  	v28 =	vmax.f32 v29, v28;
	v29 =	vmax.f32 v36, v34;
	v24 =	vmax.f32 v31, v24  }
0x1b0: {  	s30 =	sshra.s32 s30, $0x2;
	v26 =	vadd.f32 $-5.000000000e-01, v26;
	v20 =	vmul.f32 v22, v20;
	v22 =	vmax.f32 v50, v30  }
0x1b1: {  	v18 =	vmul.f32 v23, v18;
	v22 =	vmax.f32 v29, v22;
	v27 =	vadd.f32 $-5.000000000e-01, v27;
	v30 =	vld [tilespmem:s30+$0x1700]  }
0x1b2: {  	v28 =	vmax.f32 v28, v37;
	v24 =	vmax.f32 v24, v25;
	v19 =	vmul.f32 v26, v19;
	v23 =	vld [tilespmem:s30+$0x1500]  }
0x1b3: {  	v21 =	vadd.f32 v35, v21;
	v26 =	vmax.f32 v39, v32;
	v16 =	vadd.f32 v24, v16;
	v25 =	vld [tilespmem:s30+$0x1300]  }
0x1b4: {  	v26 =	vmax.f32 v26, v46;
	v19 =	vmax.f32 v19, v20;
	v17 =	vmul.f32 v27, v17;
	v24 =	vld [tilespmem:s30+$0x1100]  }
0x1b5: {  	v14 =	vadd.f32 v26, v14;
	v16 =	vadd.f32 v22, v16  }
0x1b6: {  	v17 =	vmax.f32 v17, v18;
	v20 =	vand.u32 $0x7F, v30;
	v22 =	vshll.u32 v30, $0x3  }
0x1b7: {  	v14 =	vadd.f32 v33, v14;
	v18 =	vand.u32 $0x7F, v23;
	v23 =	vshll.u32 v23, $0x3  }
0x1b8: {  	v19 =	vmax.f32 v17, v19;
	v22 =	vand.u32 $0xFFFFFC00, v22;
	v23 =	vand.u32 $0xFFFFFC00, v23  }
0x1b9: {  	v15 =	vadd.f32 v28, v15;
	v22 =	vor.u32 v20, v22;
	v26 =	vor.u32 v18, v23  }
0x1ba: {  	v23 =	vshll.u32 v25, $0x3;
	v28 =	vor.u32 $0x80, v22;
	v17 =	vld [tilespmem:s30+$0x1900];
	v27 =	vor.u32 $0x80, v26  }
0x1bb: {  	v15 =	vadd.f32 v19, v15;
	v34 =	vor.u32 $0x100, v22;
	v29 =	vor.u32 $0x100, v26;
	v18 =	vld [tilespmem:s30+$0x1B00]  }
0x1bc: {  	v30 =	vshll.u32 v24, $0x3;
	v25 =	vand.u32 $0x7F, v25;
	v23 =	vand.u32 $0xFFFFFC00, v23;
	v20 =	vld [tilespmem:s30+$0x1F00]  }
0x1bd: {  	v36 =	vor.u32 $0x180, v22;
	v33 =	vor.u32 $0x180, v26;
	v25 =	vor.u32 v25, v23;
	v19 =	vld [tilespmem:s30+$0x1D00]  }
0x1be: {  	v23 =	vand.u32 $0x7F, v24;
	v24 =	vand.u32 $0xFFFFFC00, v30;
	v38 =	vor.u32 $0x200, v25;
	v37 =	vld.idx.msk [tilespmem:v26+s14+$0x0], $0xffff  }
0x1bf: {  	v43 =	vor.u32 v23, v24;
	v24 =	vor.u32 $0x180, v25;
	v23 =	vor.u32 $0x280, v25;
	v46 =	vld.idx.msk [tilespmem:v28+s14+$0x0], $0xffff  }
0x1c0: {  	v32 =	vor.u32 $0x100, v25;
	v39 =	vor.u32 $0x100, v43;
	v31 =	vor.u32 $0x180, v43;
	v48 =	vld.idx.msk [tilespmem:v22+s14+$0x0], $0xffff  }
0x1c1: {  	v49 =	vor.u32 $0x200, v22;
	v35 =	vor.u32 $0x200, v26;
	v28 =	vor.u32 $0x80, v25;
	v27 =	vld.idx.msk [tilespmem:v27+s14+$0x0], $0xffff  }
0x1c2: {  	v44 =	vor.u32 $0x300, v25;
	v50 =	vor.u32 $0x80, v43;
	v45 =	vor.u32 $0x200, v43;
	v51 =	vld.idx.msk [tilespmem:v36+s14+$0x0], $0xffff  }
0x1c3: {  	v52 =	vor.u32 $0x380, v26;
	v30 =	vor.u32 $0x380, v22;
	v42 =	vor.u32 $0x380, v25;
	v41 =	vld.idx.msk [tilespmem:v25+s14+$0x0], $0xffff  }
0x1c4: {  	v54 =	vor.u32 $0x300, v22;
	v47 =	vor.u32 $0x300, v26;
	v25 =	vadd.f32 $-5.000000000e-01, v37;
	v53 =	vld.idx.msk [tilespmem:v34+s14+$0x0], $0xffff  }
0x1c5: {  	v40 =	vor.u32 $0x300, v43;
	v26 =	vor.u32 $0x280, v26;
	v36 =	vor.u32 $0x380, v43;
	v55 =	vld.idx.msk [tilespmem:v38+s14+$0x0], $0xffff  }
0x1c6: {  	v37 =	vadd.f32 $-5.000000000e-01, v46;
	v25 =	vmul.f32 v25, v19;
	v34 =	vadd.f32 $-5.000000000e-01, v48;
	v46 =	vld.idx.msk [tilespmem:v29+s14+$0x0], $0xffff  }
.Ltmp3:
0x1c7: {  	v38 =	vadd.f32 $-5.000000000e-01, v27;
	v27 =	vor.u32 $0x280, v43;
	v29 =	vld.idx.msk [tilespmem:v50+s14+$0x0], $0xffff;
	(pc) =	sbr.rel @p0 .LBB2_9-.Ltmp3, $4  }
0x1c8: {  	v37 =	vmul.f32 v37, v20;
	v34 =	vmul.f32 v34, v20;
	v50 =	vadd.f32 $-5.000000000e-01, v51;
	v43 =	vld.idx.msk [tilespmem:v43+s14+$0x0], $0xffff  }
0x1c9: {  	v38 =	vmul.f32 v38, v19;
	v51 =	vld.idx.msk [tilespmem:v49+s14+$0x0], $0xffff  }
0x1ca: {  	v34 =	vmax.f32 v25, v34;
	v48 =	vadd.f32 $-5.000000000e-01, v53;
	v25 =	vmul.f32 v50, v20;
	v50 =	vld.idx.msk [tilespmem:v52+s14+$0x0], $0xffff  }
0x1cb: {  	v52 =	vadd.f32 $-5.000000000e-01, v55;
	v49 =	vld.idx.msk [tilespmem:v54+s14+$0x0], $0xffff  }
0x1cc: {  	_ =	sdelay $0x3  }
0x1cd: {  	v47 =	vld.idx.msk [tilespmem:v47+s14+$0x0], $0xffff  }
0x1ce: {  	v39 =	vld.idx.msk [tilespmem:v39+s14+$0x0], $0xffff  }
0x1cf: {  	v45 =	vld.idx.msk [tilespmem:v45+s14+$0x0], $0xffff  }
0x1d0: {  	v44 =	vld.idx.msk [tilespmem:v44+s14+$0x0], $0xffff  }
0x1d1: {  	v42 =	vld.idx.msk [tilespmem:v42+s14+$0x0], $0xffff  }
0x1d2: {  	v41 =	vadd.f32 $-5.000000000e-01, v41;
	v33 =	vld.idx.msk [tilespmem:v33+s14+$0x0], $0xffff  }
0x1d3: {  	v46 =	vadd.f32 $-5.000000000e-01, v46;
	v48 =	vmul.f32 v48, v20;
	v35 =	vld.idx.msk [tilespmem:v35+s14+$0x0], $0xffff;
	v22 =	vor.u32 $0x280, v22  }
0x1d4: {  	v40 =	vld.idx.msk [tilespmem:v40+s14+$0x0], $0xffff;
	v37 =	vmax.f32 v38, v37;
	v29 =	vadd.f32 $-5.000000000e-01, v29;
	v52 =	vmul.f32 v52, v18  }
0x1d5: {  	v32 =	vld.idx.msk [tilespmem:v32+s14+$0x0], $0xffff;
	v43 =	vadd.f32 $-5.000000000e-01, v43;
	v51 =	vadd.f32 $-5.000000000e-01, v51;
	v41 =	vmul.f32 v41, v18  }
0x1d6: {  	v31 =	vld.idx.msk [tilespmem:v31+s14+$0x0], $0xffff;
	v46 =	vmul.f32 v46, v19;
	v29 =	vmul.f32 v29, v17;
	v50 =	vadd.f32 $-5.000000000e-01, v50  }
0x1d7: {  	v36 =	vld.idx.msk [tilespmem:v36+s14+$0x0], $0xffff;
	v43 =	vmul.f32 v43, v17;
	v49 =	vadd.f32 $-5.000000000e-01, v49;
	v39 =	vadd.f32 $-5.000000000e-01, v39  }
0x1d8: {  	v28 =	vld.idx.msk [tilespmem:v28+s14+$0x0], $0xffff;
	v51 =	vmul.f32 v51, v20;
	v47 =	vadd.f32 $-5.000000000e-01, v47;
	v45 =	vadd.f32 $-5.000000000e-01, v45  }
0x1d9: {  	v24 =	vld.idx.msk [tilespmem:v24+s14+$0x0], $0xffff;
	v46 =	vmax.f32 v46, v48;
	v35 =	vadd.f32 $-5.000000000e-01, v35;
	v54 =	vadd.f32 $-5.000000000e-01, v42  }
0x1da: {  	v30 =	vld.idx.msk [tilespmem:v30+s14+$0x0], $0xffff;
	v50 =	vmul.f32 v50, v19;
	v55 =	vadd.f32 $-5.000000000e-01, v44;
	v32 =	vadd.f32 $-5.000000000e-01, v32  }
0x1db: {  	v23 =	vld.idx.msk [tilespmem:v23+s14+$0x0], $0xffff;
	v41 =	vmax.f32 v43, v41;
	v33 =	vadd.f32 $-5.000000000e-01, v33;
	v31 =	vadd.f32 $-5.000000000e-01, v31  }
0x1dc: {  	v26 =	vld.idx.msk [tilespmem:v26+s14+$0x0], $0xffff;
	v40 =	vadd.f32 $-5.000000000e-01, v40;
	v36 =	vadd.f32 $-5.000000000e-01, v36;
	v49 =	vmul.f32 v49, v20  }
0x1dd: {  	v27 =	vld.idx.msk [tilespmem:v27+s14+$0x0], $0xffff;
	v28 =	vadd.f32 $-5.000000000e-01, v28;
	v39 =	vmul.f32 v39, v17;
	v47 =	vmul.f32 v47, v19  }
0x1de: {  	v24 =	vadd.f32 $-5.000000000e-01, v24;
	v45 =	vmul.f32 v45, v17;
	v35 =	vmul.f32 v35, v19  }
0x1df: {  	v30 =	vadd.f32 $-5.000000000e-01, v30;
	v33 =	vmul.f32 v33, v19;
	v57 =	vmul.f32 v55, v18  }
0x1e0: {  	v23 =	vadd.f32 $-5.000000000e-01, v23;
	v58 =	vmul.f32 v54, v18;
	v36 =	vmul.f32 v36, v17  }
0x1e1: {  	v26 =	vadd.f32 $-5.000000000e-01, v26;
	v59 =	vmul.f32 v40, v17;
	v28 =	vmul.f32 v28, v18  }
0x1e2: {  	v27 =	vadd.f32 $-5.000000000e-01, v27;
	v24 =	vmul.f32 v24, v18;
	v31 =	vmul.f32 v31, v17  }
0x1e3: {  	v22 =	vld.idx.msk [tilespmem:v22+s14+$0x0], $0xffff;
	v34 =	vmax.f32 v41, v34;
	v30 =	vmul.f32 v30, v20;
	v32 =	vmul.f32 v32, v18  }
0x1e4: {  	v21 =	vadd.f32 v34, v21;
	v18 =	vmul.f32 v23, v18;
	v19 =	vmul.f32 v26, v19  }
0x1e5: {  	v17 =	vmul.f32 v27, v17;
	v47 =	vmax.f32 v47, v49;
	v56 =	vmax.f32 v45, v52  }
0x1e6: {  	v35 =	vmax.f32 v35, v51;
	v38 =	vmax.f32 v59, v57;
	v25 =	vmax.f32 v33, v25  }
0x1e7: {  	v28 =	vmax.f32 v29, v28;
	v24 =	vmax.f32 v31, v24;
	v61 =	vmax.f32 v36, v58  }
0x1e8: {  	s26 =	sadd.s32 $0x1, s26;
	v62 =	vmax.f32 v39, v32;
	v17 =	vmax.f32 v17, v18;
	v22 =	vadd.f32 $-5.000000000e-01, v22  }
0x1e9: {  	p0 =	sne.s32 s26, $0x8;
	v35 =	vmax.f32 v56, v35;
	v23 =	vmax.f32 v28, v37;
	v24 =	vmax.f32 v24, v25  }
.Ltmp4:
0x1ea: {  	v63 =	vmax.f32 v62, v46;
	v16 =	vadd.f32 v24, v16;
	v20 =	vmul.f32 v22, v20;
	(pc) =	sbr.rel @p0 .LBB2_6-.Ltmp4, $4  }
0x1eb: {  	s28 =	smin.u32 s28, $0xC;
	v60 =	vmax.f32 v38, v47;
	v14 =	vadd.f32 v63, v14;
	v15 =	vadd.f32 v23, v15  }
0x1ec: {  	s28 =	sshll.u32 s28, $0xA;
	v21 =	vadd.f32 v35, v21;
	v22 =	vmax.f32 v50, v30;
	v19 =	vmax.f32 v19, v20  }
0x1ed: {  	s28 =	sadd.s32 s28, s10;
	v22 =	vmax.f32 v61, v22;
	v14 =	vadd.f32 v60, v14;
	v17 =	vmax.f32 v17, v19  }
0x1ee: {  	[tilespmem:s14], [sflag:$0x2] =	stream.linear.gather [hbm4b:s28+s6], $0x2000, $0x38;
	v16 =	vadd.f32 v22, v16;
	v15 =	vadd.f32 v17, v15;
	[tilespmem:$0x6180] =	vst v63  }
0x1ef: {  	_ = 	snop  }
0x1f0: {  	_ =	swait.ge [sflag:s21], $0x2000;
	v15 =	vadd.f32 v15, v21  }
0x1f1: {  	[sflag:s21] =	ssyncset.done $0x0  }
0x1f2: {  	[sflag:s21] =	ssyncadd.s32 $0xFFFFE000;
	v14 =	vadd.f32 v14, v15  }
0x1f3: {  	_ =	swait.ge [sflag:s22], $0x2000  }
0x1f4: {  	s25 =	sadd.s32 $0x1, s25;
	[sflag:s22] =	ssyncset.done $0x0;
	v14 =	vadd.f32 v16, v14  }
0x1f5: {  	p0 =	sne.s32 s25, s12;
	[sflag:s22] =	ssyncadd.s32 $0xFFFFE000  }
.Ltmp5:
0x1f6: {  	[tilespmem:$0x6100] =	vst v14;
	(pc) =	sbr.rel @p0 .LBB2_1-.Ltmp5, $4  }
0x1f7: {  	[hbm4b:s11+s6] =	stream.linear.scatter [tilespmem:s23], [sflag:$0x4], $0x80, $0x38;
	[tilespmem:$0x6180] =	vst v63  }
0x1f8: {  	_ =	swait.ge [sflag:s24], $0x80  }
0x1f9: {  	[sflag:s24] =	ssyncset.done $0x0  }
0x1fa: {  	[sflag:s24] =	ssyncadd.s32 $0xFFFFFF80  }
0x1fb: {  	_ =	sfence.sel $0x180000  }
0x1fc: {  	[bflag:$0x0] =	sbarrier.arrive $0xFFFF  }
0x1fd: {  	p0 =	sne.s32 s3, $0x0;
	_ =	strace $0x90000047  }
0x1fe: {  	s0 =	sadd.s32 @!p0 $0x100000, s5;
	[bflag:$0x2] =	sbarrier.arrive $0xFFFF  }
0x1ff: {  	[sflag:s0] =	ssyncadd.tile.s32 @!p0 $0x1;
	_ =	shalt  }
.Lfunc_end2:
_tile_overlayer_lowered:
.L_overlay_start_2:
0x200: {  	(tag) =	ssettag $0x2  }
0x201: {  	s0 =	rddreg [dreg:$0x0];
	s2 =	stileid.u32  }
0x202: {  	s1 =	rddreg [dreg:$0x1];
	p0 =	sne.s32 s2, $0x0  }
0x203: {  	s3 =	rddreg [dreg:$0x2];
	[bflag:$0x3] =	sbarrier.arrive $0xFFFF;
	s2 =	simm.s32 @!p0 $0x1C04  }
0x204: {  	[timem:s3], [sflag:s2] =	dma.local @!p0 [hbm:s0], s1  }
0x205: {  	s0 =	simm.s32 @!p0 $0x4  }
0x206: {  	_ =	swait.ge @!p0 [sflag:s0], s1  }
0x207: {  	s1 =	ssub.s32 @!p0 $0x0, s1;
	[sflag:s0] =	ssyncset.done @!p0 $0x0  }
0x208: {  	[sflag:s0] =	ssyncadd.s32 @!p0 s1  }
0x209: {  	[bflag:$0x3] =	sbarrier.arrive $0xFFFF  }
0x20a: {  	_ =	shalt  }

</sc_bundles>
